<compile_context>
chip_gen: v7x
topology: tpu7x:2x2x1
jax: 0.10.2.dev20260603
libtpu: 0.0.44.dev20260713+nightly
codegen_flags: <defaults>
</compile_context>

<pallas_src>
import functools
import jax
import jax.numpy as jnp
from jax import lax
from jax.experimental import pallas as pl
from jax.experimental.pallas import tpu as pltpu
from jax.experimental.pallas import tpu_sc as plsc

N = 100000
E = 6400000
NC = 2
NS = 16
NW = NC * NS
L = 16
NBUF = 4
CHUNK = 6400
NCH = E // CHUNK
SUBIT = (NCH + NW - 1) // NW + 2
MACRO = (SUBIT + NBUF - 1) // NBUF
UNROLL = 4
NPT = 6272
NPAD = NS * NPT
VSLICE = 6256

_mesh = plsc.VectorSubcoreMesh(
    core_axis_name="c", subcore_axis_name="s", num_cores=NC)


@functools.partial(
    pl.kernel,
    out_type=jax.ShapeDtypeStruct((NC, NPAD), jnp.float32),
    mesh=_mesh,
    scratch_types=[
        pltpu.VMEM((CHUNK,), jnp.int32),
        pltpu.VMEM((CHUNK,), jnp.int32),
        pltpu.VMEM((CHUNK,), jnp.int32),
        pltpu.VMEM((CHUNK,), jnp.int32),
        pltpu.VMEM((CHUNK,), jnp.int32),
        pltpu.VMEM((CHUNK,), jnp.int32),
        pltpu.VMEM((CHUNK,), jnp.int32),
        pltpu.VMEM((CHUNK,), jnp.int32),
        pltpu.VMEM((CHUNK,), jnp.float32),
        pltpu.VMEM((CHUNK,), jnp.float32),
        pltpu.VMEM((CHUNK,), jnp.float32),
        pltpu.VMEM((CHUNK,), jnp.float32),
        pltpu.VMEM((CHUNK,), jnp.float32),
        pltpu.VMEM((CHUNK,), jnp.float32),
        pltpu.VMEM((CHUNK,), jnp.float32),
        pltpu.VMEM((CHUNK,), jnp.float32),
        pltpu.VMEM_SHARED((N,), jnp.float32),
        pltpu.VMEM_SHARED((NPAD,), jnp.float32),
        pltpu.SemaphoreType.DMA((NBUF,)),
        pltpu.SemaphoreType.DMA((NBUF,)),
        pltpu.SemaphoreType.DMA((NBUF,)),
    ],
    compiler_params=pltpu.CompilerParams(needs_layout_passes=False),
)
def _sc_scatter(eif_hbm, w_hbm, vals_hbm, out_hbm,
                src_a, src_b, src_c, src_d, dst_a, dst_b, dst_c, dst_d,
                wm_a, wm_b, wm_c, wm_d, gb_a, gb_b, gb_c, gb_d,
                vals_sh, acc_sh, sem_in, sem_g, sem_sc):
    srcs = (src_a, src_b, src_c, src_d)
    dsts = (dst_a, dst_b, dst_c, dst_d)
    wms = (wm_a, wm_b, wm_c, wm_d)
    gbs = (gb_a, gb_b, gb_c, gb_d)
    cid = lax.axis_index("c")
    sid = lax.axis_index("s")
    wid = sid * NC + cid

    def _fire_in(c, j):
        base = pl.multiple_of(c * CHUNK, 8)
        pltpu.async_copy(eif_hbm.at[0, pl.ds(base, CHUNK)], srcs[j],
                         sem_in.at[j])
        pltpu.async_copy(eif_hbm.at[1, pl.ds(base, CHUNK)], dsts[j],
                         sem_in.at[j])
        pltpu.async_copy(w_hbm.at[pl.ds(base, CHUNK)], wms[j],
                         sem_in.at[j])

    def _wait_in(c, j):
        base = pl.multiple_of(c * CHUNK, 8)
        pltpu.make_async_copy(eif_hbm.at[0, pl.ds(base, CHUNK)], srcs[j],
                              sem_in.at[j]).wait()
        pltpu.make_async_copy(eif_hbm.at[1, pl.ds(base, CHUNK)], dsts[j],
                              sem_in.at[j]).wait()
        pltpu.make_async_copy(w_hbm.at[pl.ds(base, CHUNK)], wms[j],
                              sem_in.at[j]).wait()

    vbase = sid * VSLICE

    @pl.when(sid < NS - 1)
    def _():
        pltpu.sync_copy(vals_hbm.at[pl.ds(vbase, VSLICE)],
                        gb_a.at[pl.ds(0, VSLICE)])
        pltpu.sync_copy(gb_a.at[pl.ds(0, VSLICE)],
                        vals_sh.at[pl.ds(vbase, VSLICE)])

    VTAIL = N - (NS - 1) * VSLICE

    @pl.when(sid == NS - 1)
    def _():
        pltpu.sync_copy(vals_hbm.at[pl.ds((NS - 1) * VSLICE, VTAIL)],
                        gb_a.at[pl.ds(0, VTAIL)])
        pltpu.sync_copy(gb_a.at[pl.ds(0, VTAIL)],
                        vals_sh.at[pl.ds((NS - 1) * VSLICE, VTAIL)])

    zeros = jnp.zeros((L,), jnp.float32)

    def _z(i, carry):
        gb_a[pl.ds(i * L, L)] = zeros
        return carry

    lax.fori_loop(0, CHUNK // L, _z, 0)
    for k in range(NPT // CHUNK):
        pltpu.sync_copy(gb_a,
                        acc_sh.at[pl.ds(sid * NPT + k * CHUNK, CHUNK)])
    pltpu.sync_copy(gb_a.at[pl.ds(0, NPT % CHUNK)],
                    acc_sh.at[pl.ds(sid * NPT + NPT - NPT % CHUNK,
                                    NPT % CHUNK)])

    _fire_in(wid, 0)
    _fire_in(NW + wid, 1)

    plsc.subcore_barrier()

    def _macro(i, carry):
        for j in range(NBUF):
            i3 = i * NBUF + j
            c = i3 * NW + wid

            @pl.when(c < NCH)
            def _():
                _wait_in(c, j)
                pltpu.async_copy(vals_sh.at[srcs[j]], gbs[j], sem_g.at[j])

            jm1 = (j + NBUF - 1) % NBUF
            cm1 = c - NW

            @pl.when((i3 >= 1) & (cm1 < NCH))
            def _():
                pltpu.make_async_copy(vals_sh.at[srcs[jm1]], gbs[jm1],
                                      sem_g.at[jm1]).wait()

                def _g(g, acc):
                    for u in range(UNROLL):
                        o = g * (L * UNROLL) + u * L
                        wms[jm1][pl.ds(o, L)] = (
                            gbs[jm1][pl.ds(o, L)] * wms[jm1][pl.ds(o, L)])
                    return acc

                lax.fori_loop(0, CHUNK // (L * UNROLL), _g, 0)
                pltpu.async_copy(wms[jm1], acc_sh.at[dsts[jm1]],
                                 sem_sc.at[jm1], add=True)

            jm2 = (j + NBUF - 2) % NBUF
            cm2 = c - 2 * NW

            @pl.when((i3 >= 2) & (cm2 < NCH))
            def _():
                pltpu.make_async_copy(wms[jm2], acc_sh.at[dsts[jm2]],
                                      sem_sc.at[jm2]).wait()

            cf = c + 2 * NW

            @pl.when(cf < NCH)
            def _():
                _fire_in(cf, jm2)

        return carry

    lax.fori_loop(0, MACRO, _macro, 0)

    plsc.subcore_barrier()
    pltpu.sync_copy(acc_sh.at[pl.ds(sid * NPT, NPT)],
                    out_hbm.at[cid, pl.ds(sid * NPT, NPT)])


def _combine_body(x_ref, o_ref):
    s = jax.nn.sigmoid(x_ref[0] + x_ref[1])
    o_ref[...] = s[:N]


_combine = pl.pallas_call(
    _combine_body,
    out_shape=jax.ShapeDtypeStruct((N,), jnp.float32),
)


@jax.jit
def kernel(values, edge_index, edge_weight):
    partials = _sc_scatter(edge_index, edge_weight, values)
    return _combine(partials)

# --- scband reference (transcript-rebuilt; emitter-appended) ---
"""Pipeline reference for scband-ppgcn-25924422598908 (READ-ONLY COPY).

The authoritative reference and input builder live on the scoring server;
editing this copy changes nothing except your own understanding.
"""

import jax, jax.numpy as jnp
import numpy as np

N = 100000
E = 6400000

def setup_inputs(seed: int = 0) -> dict:
    key = jax.random.key(seed)
    k1, k2, k3 = jax.random.split(key, 3)
    values = jax.random.uniform(k1, (N,), dtype=jnp.float32)
    edge_index = jax.random.randint(k2, (2, E), 0, N, dtype=jnp.int32)
    # Learned parameters: the torch module builds, for each node,
    # nn.Linear(num_links, 1, bias=False) followed by Sigmoid. Concatenating
    # all per-node weight vectors in edge order gives one weight per edge.
    edge_weight = jax.random.normal(k3, (E,), dtype=jnp.float32) * 0.1
    return {"values": values, "edge_index": edge_index, "edge_weight": edge_weight}

def reference(values, edge_index, edge_weight):
    # Faithful translation of PPGCN.forward_once (one propagation step):
    # for each node: vals = [current_values[nb] for nb in neighbors]
    #                new_values[node] = sigmoid(W_node @ vals)
    # Vectorized: gather source values per edge, scale by per-edge weight,
    # scatter-add into destination node, then sigmoid.
    src = edge_index[0]
    dst = edge_index[1]
    msgs = jnp.take(values, src, axis=0) * edge_weight  # gather + elementwise
    agg = jax.ops.segment_sum(msgs, dst, num_segments=N)  # scatter-add per node
    new_values = jax.nn.sigmoid(agg)
    return new_values

if __name__ == "__main__":
    import jax
    _d = setup_inputs()
    print(jax.jit(kernel)(*tuple(_d.values())))

</pallas_src>

<mosaic_0001>
#map = affine_map<(d0, d1) -> (0, 0)>
#map1 = affine_map<(d0, d1) -> (0)>
module attributes {stable_mosaic.version = 14 : i64} {
  func.func @_sc_scatter(%arg0: i32, %arg1: i32, %arg2: memref<2x6400000xi32, #tpu.memory_space<hbm>>, %arg3: memref<6400000xf32, #tpu.memory_space<hbm>>, %arg4: memref<100000xf32, #tpu.memory_space<hbm>>, %arg5: memref<2x100352xf32, #tpu.memory_space<hbm>>, %arg6: memref<6400xi32, #tpu.memory_space<vmem>>, %arg7: memref<6400xi32, #tpu.memory_space<vmem>>, %arg8: memref<6400xi32, #tpu.memory_space<vmem>>, %arg9: memref<6400xi32, #tpu.memory_space<vmem>>, %arg10: memref<6400xi32, #tpu.memory_space<vmem>>, %arg11: memref<6400xi32, #tpu.memory_space<vmem>>, %arg12: memref<6400xi32, #tpu.memory_space<vmem>>, %arg13: memref<6400xi32, #tpu.memory_space<vmem>>, %arg14: memref<6400xf32, #tpu.memory_space<vmem>>, %arg15: memref<6400xf32, #tpu.memory_space<vmem>>, %arg16: memref<6400xf32, #tpu.memory_space<vmem>>, %arg17: memref<6400xf32, #tpu.memory_space<vmem>>, %arg18: memref<6400xf32, #tpu.memory_space<vmem>>, %arg19: memref<6400xf32, #tpu.memory_space<vmem>>, %arg20: memref<6400xf32, #tpu.memory_space<vmem>>, %arg21: memref<6400xf32, #tpu.memory_space<vmem>>, %arg22: memref<100000xf32, #tpu.memory_space<vmem_shared>>, %arg23: memref<100352xf32, #tpu.memory_space<vmem_shared>>, %arg24: memref<4x!tpu.dma_semaphore, #tpu.memory_space<semaphore_mem>>, %arg25: memref<4x!tpu.dma_semaphore, #tpu.memory_space<semaphore_mem>>, %arg26: memref<4x!tpu.dma_semaphore, #tpu.memory_space<semaphore_mem>>) attributes {dimension_semantics = [#tpu.dimension_semantics<core_parallel>, #tpu.dimension_semantics<subcore_parallel>], iteration_bounds = array<i64: 2, 16>, scalar_prefetch = 0 : i64, scratch_operands = 21 : i64, tpu.core_type = #tpu.core_type<sc_vector_subcore>, window_params = [{transform_indices = #map}, {transform_indices = #map1}, {transform_indices = #map1}, {transform_indices = #map}]} {
    %mul3A = arith.constant 2 : i32
    %mul3A_0 = arith.muli %arg1, %mul3A : i32
    %add3A = arith.addi %mul3A_0, %arg0 : i32
    %mul3A_1 = arith.constant 6256 : i32
    %mul3A_2 = arith.muli %arg1, %mul3A_1 : i32
    %lt3A = arith.constant 15 : i32
    %lt3A_3 = arith.cmpi slt, %arg1, %lt3A : i32
    %convert_element_type3A = arith.extui %lt3A_3 : i1 to i32
    %cond3A = arith.constant 0 : i32
    %cond3A_4 = arith.cmpi ne, %convert_element_type3A, %cond3A : i32
    scf.if %cond3A_4 {
      "tpu.region"() ({
        %run_scoped3A = tpu.sem_alloc : memref<!tpu.dma_semaphore, #tpu.memory_space<semaphore_mem>>
        %dma_start3A_79 = arith.constant 0 : i32
        %dma_start3A_80 = tpu.memref_slice %arg18[%dma_start3A_79] : memref<6400xf32, #tpu.memory_space<vmem>> -> memref<6256xf32, #tpu.memory_space<vmem>>
        %dma_start3A_81 = tpu.memref_slice %arg4[%mul3A_2] : memref<100000xf32, #tpu.memory_space<hbm>> -> memref<6256xf32, #tpu.memory_space<hbm>>
        %dma_start3A_82 = arith.constant 0 : i32
        %dma_start3A_83 = tpu.memref_slice %arg18[%dma_start3A_82] : memref<6400xf32, #tpu.memory_space<vmem>> -> memref<6256xf32, #tpu.memory_space<vmem>>
        %dma_start3A_84 = tpu.memref_slice %arg4[%mul3A_2] : memref<100000xf32, #tpu.memory_space<hbm>> -> memref<6256xf32, #tpu.memory_space<hbm>>
        tpu.enqueue_dma source(%dma_start3A_84 : memref<6256xf32, #tpu.memory_space<hbm>>) target(%dma_start3A_83 : memref<6256xf32, #tpu.memory_space<vmem>>) target_semaphore(%run_scoped3A : memref<!tpu.dma_semaphore, #tpu.memory_space<semaphore_mem>>)
        %dma_wait3A = arith.constant 0 : i32
        %dma_wait3A_85 = tpu.memref_slice %arg18[%dma_wait3A] : memref<6400xf32, #tpu.memory_space<vmem>> -> memref<6256xf32, #tpu.memory_space<vmem>>
        %dma_wait3A_86 = tpu.memref_slice %arg4[%mul3A_2] : memref<100000xf32, #tpu.memory_space<hbm>> -> memref<6256xf32, #tpu.memory_space<hbm>>
        %dma_wait3A_87 = arith.constant 0 : i32
        %dma_wait3A_88 = tpu.memref_slice %arg18[%dma_wait3A_87] : memref<6400xf32, #tpu.memory_space<vmem>> -> memref<6256xf32, #tpu.memory_space<vmem>>
        %dma_wait3A_89 = tpu.memref_slice %arg4[%mul3A_2] : memref<100000xf32, #tpu.memory_space<hbm>> -> memref<6256xf32, #tpu.memory_space<hbm>>
        tpu.wait_dma2 semaphore(%run_scoped3A : memref<!tpu.dma_semaphore, #tpu.memory_space<semaphore_mem>>) src(%dma_wait3A_89 : memref<6256xf32, #tpu.memory_space<hbm>>) dst(%dma_wait3A_88 : memref<6256xf32, #tpu.memory_space<vmem>>)
        tpu.yield
      }) : () -> ()
      "tpu.region"() ({
        %run_scoped3A = tpu.sem_alloc : memref<!tpu.dma_semaphore, #tpu.memory_space<semaphore_mem>>
        %dma_start3A_79 = arith.constant 0 : i32
        %dma_start3A_80 = tpu.memref_slice %arg18[%dma_start3A_79] : memref<6400xf32, #tpu.memory_space<vmem>> -> memref<6256xf32, #tpu.memory_space<vmem>>
        %dma_start3A_81 = tpu.memref_slice %arg22[%mul3A_2] : memref<100000xf32, #tpu.memory_space<vmem_shared>> -> memref<6256xf32, #tpu.memory_space<vmem_shared>>
        %dma_start3A_82 = tpu.memref_slice %arg22[%mul3A_2] : memref<100000xf32, #tpu.memory_space<vmem_shared>> -> memref<6256xf32, #tpu.memory_space<vmem_shared>>
        %dma_start3A_83 = arith.constant 0 : i32
        %dma_start3A_84 = tpu.memref_slice %arg18[%dma_start3A_83] : memref<6400xf32, #tpu.memory_space<vmem>> -> memref<6256xf32, #tpu.memory_space<vmem>>
        tpu.enqueue_dma source(%dma_start3A_84 : memref<6256xf32, #tpu.memory_space<vmem>>) target(%dma_start3A_82 : memref<6256xf32, #tpu.memory_space<vmem_shared>>) target_semaphore(%run_scoped3A : memref<!tpu.dma_semaphore, #tpu.memory_space<semaphore_mem>>)
        %dma_wait3A = arith.constant 0 : i32
        %dma_wait3A_85 = tpu.memref_slice %arg18[%dma_wait3A] : memref<6400xf32, #tpu.memory_space<vmem>> -> memref<6256xf32, #tpu.memory_space<vmem>>
        %dma_wait3A_86 = tpu.memref_slice %arg22[%mul3A_2] : memref<100000xf32, #tpu.memory_space<vmem_shared>> -> memref<6256xf32, #tpu.memory_space<vmem_shared>>
        %dma_wait3A_87 = tpu.memref_slice %arg22[%mul3A_2] : memref<100000xf32, #tpu.memory_space<vmem_shared>> -> memref<6256xf32, #tpu.memory_space<vmem_shared>>
        %dma_wait3A_88 = arith.constant 0 : i32
        %dma_wait3A_89 = tpu.memref_slice %arg18[%dma_wait3A_88] : memref<6400xf32, #tpu.memory_space<vmem>> -> memref<6256xf32, #tpu.memory_space<vmem>>
        tpu.wait_dma2 semaphore(%run_scoped3A : memref<!tpu.dma_semaphore, #tpu.memory_space<semaphore_mem>>) src(%dma_wait3A_89 : memref<6256xf32, #tpu.memory_space<vmem>>) dst(%dma_wait3A_87 : memref<6256xf32, #tpu.memory_space<vmem_shared>>)
        tpu.yield
      }) : () -> ()
    } else {
    }
    %eq3A = arith.constant 15 : i32
    %eq3A_5 = arith.cmpi eq, %arg1, %eq3A : i32
    %convert_element_type3A_6 = arith.extui %eq3A_5 : i1 to i32
    %cond3A_7 = arith.constant 0 : i32
    %cond3A_8 = arith.cmpi ne, %convert_element_type3A_6, %cond3A_7 : i32
    scf.if %cond3A_8 {
      "tpu.region"() ({
        %run_scoped3A = tpu.sem_alloc : memref<!tpu.dma_semaphore, #tpu.memory_space<semaphore_mem>>
        %dma_start3A_79 = arith.constant 0 : i32
        %dma_start3A_80 = tpu.memref_slice %arg18[%dma_start3A_79] : memref<6400xf32, #tpu.memory_space<vmem>> -> memref<6160xf32, #tpu.memory_space<vmem>>
        %dma_start3A_81 = arith.constant 93840 : i32
        %dma_start3A_82 = tpu.memref_slice %arg4[%dma_start3A_81] : memref<100000xf32, #tpu.memory_space<hbm>> -> memref<6160xf32, #tpu.memory_space<hbm>>
        %dma_start3A_83 = arith.constant 0 : i32
        %dma_start3A_84 = tpu.memref_slice %arg18[%dma_start3A_83] : memref<6400xf32, #tpu.memory_space<vmem>> -> memref<6160xf32, #tpu.memory_space<vmem>>
        %dma_start3A_85 = arith.constant 93840 : i32
        %dma_start3A_86 = tpu.memref_slice %arg4[%dma_start3A_85] : memref<100000xf32, #tpu.memory_space<hbm>> -> memref<6160xf32, #tpu.memory_space<hbm>>
        tpu.enqueue_dma source(%dma_start3A_86 : memref<6160xf32, #tpu.memory_space<hbm>>) target(%dma_start3A_84 : memref<6160xf32, #tpu.memory_space<vmem>>) target_semaphore(%run_scoped3A : memref<!tpu.dma_semaphore, #tpu.memory_space<semaphore_mem>>)
        %dma_wait3A = arith.constant 0 : i32
        %dma_wait3A_87 = tpu.memref_slice %arg18[%dma_wait3A] : memref<6400xf32, #tpu.memory_space<vmem>> -> memref<6160xf32, #tpu.memory_space<vmem>>
        %dma_wait3A_88 = arith.constant 93840 : i32
        %dma_wait3A_89 = tpu.memref_slice %arg4[%dma_wait3A_88] : memref<100000xf32, #tpu.memory_space<hbm>> -> memref<6160xf32, #tpu.memory_space<hbm>>
        %dma_wait3A_90 = arith.constant 0 : i32
        %dma_wait3A_91 = tpu.memref_slice %arg18[%dma_wait3A_90] : memref<6400xf32, #tpu.memory_space<vmem>> -> memref<6160xf32, #tpu.memory_space<vmem>>
        %dma_wait3A_92 = arith.constant 93840 : i32
        %dma_wait3A_93 = tpu.memref_slice %arg4[%dma_wait3A_92] : memref<100000xf32, #tpu.memory_space<hbm>> -> memref<6160xf32, #tpu.memory_space<hbm>>
        tpu.wait_dma2 semaphore(%run_scoped3A : memref<!tpu.dma_semaphore, #tpu.memory_space<semaphore_mem>>) src(%dma_wait3A_93 : memref<6160xf32, #tpu.memory_space<hbm>>) dst(%dma_wait3A_91 : memref<6160xf32, #tpu.memory_space<vmem>>)
        tpu.yield
      }) : () -> ()
      "tpu.region"() ({
        %run_scoped3A = tpu.sem_alloc : memref<!tpu.dma_semaphore, #tpu.memory_space<semaphore_mem>>
        %dma_start3A_79 = arith.constant 0 : i32
        %dma_start3A_80 = tpu.memref_slice %arg18[%dma_start3A_79] : memref<6400xf32, #tpu.memory_space<vmem>> -> memref<6160xf32, #tpu.memory_space<vmem>>
        %dma_start3A_81 = arith.constant 93840 : i32
        %dma_start3A_82 = tpu.memref_slice %arg22[%dma_start3A_81] : memref<100000xf32, #tpu.memory_space<vmem_shared>> -> memref<6160xf32, #tpu.memory_space<vmem_shared>>
        %dma_start3A_83 = arith.constant 93840 : i32
        %dma_start3A_84 = tpu.memref_slice %arg22[%dma_start3A_83] : memref<100000xf32, #tpu.memory_space<vmem_shared>> -> memref<6160xf32, #tpu.memory_space<vmem_shared>>
        %dma_start3A_85 = arith.constant 0 : i32
        %dma_start3A_86 = tpu.memref_slice %arg18[%dma_start3A_85] : memref<6400xf32, #tpu.memory_space<vmem>> -> memref<6160xf32, #tpu.memory_space<vmem>>
        tpu.enqueue_dma source(%dma_start3A_86 : memref<6160xf32, #tpu.memory_space<vmem>>) target(%dma_start3A_84 : memref<6160xf32, #tpu.memory_space<vmem_shared>>) target_semaphore(%run_scoped3A : memref<!tpu.dma_semaphore, #tpu.memory_space<semaphore_mem>>)
        %dma_wait3A = arith.constant 0 : i32
        %dma_wait3A_87 = tpu.memref_slice %arg18[%dma_wait3A] : memref<6400xf32, #tpu.memory_space<vmem>> -> memref<6160xf32, #tpu.memory_space<vmem>>
        %dma_wait3A_88 = arith.constant 93840 : i32
        %dma_wait3A_89 = tpu.memref_slice %arg22[%dma_wait3A_88] : memref<100000xf32, #tpu.memory_space<vmem_shared>> -> memref<6160xf32, #tpu.memory_space<vmem_shared>>
        %dma_wait3A_90 = arith.constant 93840 : i32
        %dma_wait3A_91 = tpu.memref_slice %arg22[%dma_wait3A_90] : memref<100000xf32, #tpu.memory_space<vmem_shared>> -> memref<6160xf32, #tpu.memory_space<vmem_shared>>
        %dma_wait3A_92 = arith.constant 0 : i32
        %dma_wait3A_93 = tpu.memref_slice %arg18[%dma_wait3A_92] : memref<6400xf32, #tpu.memory_space<vmem>> -> memref<6160xf32, #tpu.memory_space<vmem>>
        tpu.wait_dma2 semaphore(%run_scoped3A : memref<!tpu.dma_semaphore, #tpu.memory_space<semaphore_mem>>) src(%dma_wait3A_93 : memref<6160xf32, #tpu.memory_space<vmem>>) dst(%dma_wait3A_91 : memref<6160xf32, #tpu.memory_space<vmem_shared>>)
        tpu.yield
      }) : () -> ()
    } else {
    }
    %broadcast_in_dim3A = arith.constant 0.000000e+00 : f32
    %broadcast_in_dim3A_9 = vector.broadcast %broadcast_in_dim3A : f32 to vector<16xf32>
    %scan3A = arith.constant 0 : i32
    %scan3A_10 = arith.constant 0 : i32
    %scan3A_11 = arith.constant 400 : i32
    %scan3A_12 = arith.addi %scan3A_10, %scan3A_11 : i32
    %scan3A_13 = arith.constant 1 : i32
    scf.for %scan3A_79 = %scan3A_10 to %scan3A_12 step %scan3A_13  : i32 {
      %mul3A_80 = arith.constant 16 : i32
      %mul3A_81 = arith.muli %scan3A_79, %mul3A_80 : i32
      %swap3A = arith.index_cast %mul3A_81 : i32 to index
      %swap3A_82 = tpu.vector_load %arg18[%swap3A] {strides = array<i32>} : memref<6400xf32, #tpu.memory_space<vmem>>, vector<16xf32>,
      tpu.vector_store %arg18[%swap3A], %broadcast_in_dim3A_9 {strides = array<i32>} : memref<6400xf32, #tpu.memory_space<vmem>>, vector<16xf32>,
    }
    %scan3A_14 = arith.constant 400 : i32
    %mul3A_15 = arith.constant 6272 : i32
    %mul3A_16 = arith.muli %arg1, %mul3A_15 : i32
    %add3A_17 = arith.constant 6272 : i32
    %add3A_18 = arith.addi %mul3A_16, %add3A_17 : i32
    %sub3A = arith.constant 6272 : i32
    %sub3A_19 = arith.subi %add3A_18, %sub3A : i32
    "tpu.region"() ({
      %run_scoped3A = tpu.sem_alloc : memref<!tpu.dma_semaphore, #tpu.memory_space<semaphore_mem>>
      %dma_start3A_79 = arith.constant 0 : i32
      %dma_start3A_80 = tpu.memref_slice %arg18[%dma_start3A_79] : memref<6400xf32, #tpu.memory_space<vmem>> -> memref<6272xf32, #tpu.memory_space<vmem>>
      %dma_start3A_81 = tpu.memref_slice %arg23[%sub3A_19] : memref<100352xf32, #tpu.memory_space<vmem_shared>> -> memref<6272xf32, #tpu.memory_space<vmem_shared>>
      %dma_start3A_82 = tpu.memref_slice %arg23[%sub3A_19] : memref<100352xf32, #tpu.memory_space<vmem_shared>> -> memref<6272xf32, #tpu.memory_space<vmem_shared>>
      %dma_start3A_83 = arith.constant 0 : i32
      %dma_start3A_84 = tpu.memref_slice %arg18[%dma_start3A_83] : memref<6400xf32, #tpu.memory_space<vmem>> -> memref<6272xf32, #tpu.memory_space<vmem>>
      tpu.enqueue_dma source(%dma_start3A_84 : memref<6272xf32, #tpu.memory_space<vmem>>) target(%dma_start3A_82 : memref<6272xf32, #tpu.memory_space<vmem_shared>>) target_semaphore(%run_scoped3A : memref<!tpu.dma_semaphore, #tpu.memory_space<semaphore_mem>>)
      %dma_wait3A = arith.constant 0 : i32
      %dma_wait3A_85 = tpu.memref_slice %arg18[%dma_wait3A] : memref<6400xf32, #tpu.memory_space<vmem>> -> memref<6272xf32, #tpu.memory_space<vmem>>
      %dma_wait3A_86 = tpu.memref_slice %arg23[%sub3A_19] : memref<100352xf32, #tpu.memory_space<vmem_shared>> -> memref<6272xf32, #tpu.memory_space<vmem_shared>>
      %dma_wait3A_87 = tpu.memref_slice %arg23[%sub3A_19] : memref<100352xf32, #tpu.memory_space<vmem_shared>> -> memref<6272xf32, #tpu.memory_space<vmem_shared>>
      %dma_wait3A_88 = arith.constant 0 : i32
      %dma_wait3A_89 = tpu.memref_slice %arg18[%dma_wait3A_88] : memref<6400xf32, #tpu.memory_space<vmem>> -> memref<6272xf32, #tpu.memory_space<vmem>>
      tpu.wait_dma2 semaphore(%run_scoped3A : memref<!tpu.dma_semaphore, #tpu.memory_space<semaphore_mem>>) src(%dma_wait3A_89 : memref<6272xf32, #tpu.memory_space<vmem>>) dst(%dma_wait3A_87 : memref<6272xf32, #tpu.memory_space<vmem_shared>>)
      tpu.yield
    }) : () -> ()
    %mul3A_20 = arith.constant 6400 : i32
    %mul3A_21 = arith.muli %add3A, %mul3A_20 : i32
    %multiple_of3A = tpu.assume_multiple %mul3A_21, 8 : i32
    %dma_start3A = arith.constant 0 : i32
    %dma_start3A_22 = arith.constant 0 : i32
    %dma_start3A_23 = tpu.memref_slice %arg2[%dma_start3A, %multiple_of3A] : memref<2x6400000xi32, #tpu.memory_space<hbm>> -> memref<1x6400xi32, #tpu.memory_space<hbm>>
    %dma_start3A_24 = tpu.memref_squeeze %dma_start3A_23 : memref<1x6400xi32, #tpu.memory_space<hbm>> -> memref<6400xi32, #tpu.memory_space<hbm>>
    %dma_start3A_25 = tpu.memref_slice %arg24[%dma_start3A_22] : memref<4x!tpu.dma_semaphore, #tpu.memory_space<semaphore_mem>> -> memref<1x!tpu.dma_semaphore, #tpu.memory_space<semaphore_mem>>
    %dma_start3A_26 = tpu.memref_squeeze %dma_start3A_25 : memref<1x!tpu.dma_semaphore, #tpu.memory_space<semaphore_mem>> -> memref<!tpu.dma_semaphore, #tpu.memory_space<semaphore_mem>>
    %dma_start3A_27 = tpu.memref_slice %arg2[%dma_start3A, %multiple_of3A] : memref<2x6400000xi32, #tpu.memory_space<hbm>> -> memref<1x6400xi32, #tpu.memory_space<hbm>>
    %dma_start3A_28 = tpu.memref_squeeze %dma_start3A_27 : memref<1x6400xi32, #tpu.memory_space<hbm>> -> memref<6400xi32, #tpu.memory_space<hbm>>
    tpu.enqueue_dma source(%dma_start3A_28 : memref<6400xi32, #tpu.memory_space<hbm>>) target(%arg6 : memref<6400xi32, #tpu.memory_space<vmem>>) target_semaphore(%dma_start3A_26 : memref<!tpu.dma_semaphore, #tpu.memory_space<semaphore_mem>>)
    %dma_start3A_29 = arith.constant 1 : i32
    %dma_start3A_30 = arith.constant 0 : i32
    %dma_start3A_31 = tpu.memref_slice %arg2[%dma_start3A_29, %multiple_of3A] : memref<2x6400000xi32, #tpu.memory_space<hbm>> -> memref<1x6400xi32, #tpu.memory_space<hbm>>
    %dma_start3A_32 = tpu.memref_squeeze %dma_start3A_31 : memref<1x6400xi32, #tpu.memory_space<hbm>> -> memref<6400xi32, #tpu.memory_space<hbm>>
    %dma_start3A_33 = tpu.memref_slice %arg24[%dma_start3A_30] : memref<4x!tpu.dma_semaphore, #tpu.memory_space<semaphore_mem>> -> memref<1x!tpu.dma_semaphore, #tpu.memory_space<semaphore_mem>>
    %dma_start3A_34 = tpu.memref_squeeze %dma_start3A_33 : memref<1x!tpu.dma_semaphore, #tpu.memory_space<semaphore_mem>> -> memref<!tpu.dma_semaphore, #tpu.memory_space<semaphore_mem>>
    %dma_start3A_35 = tpu.memref_slice %arg2[%dma_start3A_29, %multiple_of3A] : memref<2x6400000xi32, #tpu.memory_space<hbm>> -> memref<1x6400xi32, #tpu.memory_space<hbm>>
    %dma_start3A_36 = tpu.memref_squeeze %dma_start3A_35 : memref<1x6400xi32, #tpu.memory_space<hbm>> -> memref<6400xi32, #tpu.memory_space<hbm>>
    tpu.enqueue_dma source(%dma_start3A_36 : memref<6400xi32, #tpu.memory_space<hbm>>) target(%arg10 : memref<6400xi32, #tpu.memory_space<vmem>>) target_semaphore(%dma_start3A_34 : memref<!tpu.dma_semaphore, #tpu.memory_space<semaphore_mem>>)
    %dma_start3A_37 = arith.constant 0 : i32
    %dma_start3A_38 = tpu.memref_slice %arg3[%multiple_of3A] : memref<6400000xf32, #tpu.memory_space<hbm>> -> memref<6400xf32, #tpu.memory_space<hbm>>
    %dma_start3A_39 = tpu.memref_slice %arg24[%dma_start3A_37] : memref<4x!tpu.dma_semaphore, #tpu.memory_space<semaphore_mem>> -> memref<1x!tpu.dma_semaphore, #tpu.memory_space<semaphore_mem>>
    %dma_start3A_40 = tpu.memref_squeeze %dma_start3A_39 : memref<1x!tpu.dma_semaphore, #tpu.memory_space<semaphore_mem>> -> memref<!tpu.dma_semaphore, #tpu.memory_space<semaphore_mem>>
    %dma_start3A_41 = tpu.memref_slice %arg3[%multiple_of3A] : memref<6400000xf32, #tpu.memory_space<hbm>> -> memref<6400xf32, #tpu.memory_space<hbm>>
    tpu.enqueue_dma source(%dma_start3A_41 : memref<6400xf32, #tpu.memory_space<hbm>>) target(%arg14 : memref<6400xf32, #tpu.memory_space<vmem>>) target_semaphore(%dma_start3A_40 : memref<!tpu.dma_semaphore, #tpu.memory_space<semaphore_mem>>)
    %add3A_42 = arith.constant 32 : i32
    %add3A_43 = arith.addi %add3A_42, %add3A : i32
    %mul3A_44 = arith.constant 6400 : i32
    %mul3A_45 = arith.muli %add3A_43, %mul3A_44 : i32
    %multiple_of3A_46 = tpu.assume_multiple %mul3A_45, 8 : i32
    %dma_start3A_47 = arith.constant 0 : i32
    %dma_start3A_48 = arith.constant 1 : i32
    %dma_start3A_49 = tpu.memref_slice %arg2[%dma_start3A_47, %multiple_of3A_46] : memref<2x6400000xi32, #tpu.memory_space<hbm>> -> memref<1x6400xi32, #tpu.memory_space<hbm>>
    %dma_start3A_50 = tpu.memref_squeeze %dma_start3A_49 : memref<1x6400xi32, #tpu.memory_space<hbm>> -> memref<6400xi32, #tpu.memory_space<hbm>>
    %dma_start3A_51 = tpu.memref_slice %arg24[%dma_start3A_48] : memref<4x!tpu.dma_semaphore, #tpu.memory_space<semaphore_mem>> -> memref<1x!tpu.dma_semaphore, #tpu.memory_space<semaphore_mem>>
    %dma_start3A_52 = tpu.memref_squeeze %dma_start3A_51 : memref<1x!tpu.dma_semaphore, #tpu.memory_space<semaphore_mem>> -> memref<!tpu.dma_semaphore, #tpu.memory_space<semaphore_mem>>
    %dma_start3A_53 = tpu.memref_slice %arg2[%dma_start3A_47, %multiple_of3A_46] : memref<2x6400000xi32, #tpu.memory_space<hbm>> -> memref<1x6400xi32, #tpu.memory_space<hbm>>
    %dma_start3A_54 = tpu.memref_squeeze %dma_start3A_53 : memref<1x6400xi32, #tpu.memory_space<hbm>> -> memref<6400xi32, #tpu.memory_space<hbm>>
    tpu.enqueue_dma source(%dma_start3A_54 : memref<6400xi32, #tpu.memory_space<hbm>>) target(%arg7 : memref<6400xi32, #tpu.memory_space<vmem>>) target_semaphore(%dma_start3A_52 : memref<!tpu.dma_semaphore, #tpu.memory_space<semaphore_mem>>)
    %dma_start3A_55 = arith.constant 1 : i32
    %dma_start3A_56 = arith.constant 1 : i32
    %dma_start3A_57 = tpu.memref_slice %arg2[%dma_start3A_55, %multiple_of3A_46] : memref<2x6400000xi32, #tpu.memory_space<hbm>> -> memref<1x6400xi32, #tpu.memory_space<hbm>>
    %dma_start3A_58 = tpu.memref_squeeze %dma_start3A_57 : memref<1x6400xi32, #tpu.memory_space<hbm>> -> memref<6400xi32, #tpu.memory_space<hbm>>
    %dma_start3A_59 = tpu.memref_slice %arg24[%dma_start3A_56] : memref<4x!tpu.dma_semaphore, #tpu.memory_space<semaphore_mem>> -> memref<1x!tpu.dma_semaphore, #tpu.memory_space<semaphore_mem>>
    %dma_start3A_60 = tpu.memref_squeeze %dma_start3A_59 : memref<1x!tpu.dma_semaphore, #tpu.memory_space<semaphore_mem>> -> memref<!tpu.dma_semaphore, #tpu.memory_space<semaphore_mem>>
    %dma_start3A_61 = tpu.memref_slice %arg2[%dma_start3A_55, %multiple_of3A_46] : memref<2x6400000xi32, #tpu.memory_space<hbm>> -> memref<1x6400xi32, #tpu.memory_space<hbm>>
    %dma_start3A_62 = tpu.memref_squeeze %dma_start3A_61 : memref<1x6400xi32, #tpu.memory_space<hbm>> -> memref<6400xi32, #tpu.memory_space<hbm>>
    tpu.enqueue_dma source(%dma_start3A_62 : memref<6400xi32, #tpu.memory_space<hbm>>) target(%arg11 : memref<6400xi32, #tpu.memory_space<vmem>>) target_semaphore(%dma_start3A_60 : memref<!tpu.dma_semaphore, #tpu.memory_space<semaphore_mem>>)
    %dma_start3A_63 = arith.constant 1 : i32
    %dma_start3A_64 = tpu.memref_slice %arg3[%multiple_of3A_46] : memref<6400000xf32, #tpu.memory_space<hbm>> -> memref<6400xf32, #tpu.memory_space<hbm>>
    %dma_start3A_65 = tpu.memref_slice %arg24[%dma_start3A_63] : memref<4x!tpu.dma_semaphore, #tpu.memory_space<semaphore_mem>> -> memref<1x!tpu.dma_semaphore, #tpu.memory_space<semaphore_mem>>
    %dma_start3A_66 = tpu.memref_squeeze %dma_start3A_65 : memref<1x!tpu.dma_semaphore, #tpu.memory_space<semaphore_mem>> -> memref<!tpu.dma_semaphore, #tpu.memory_space<semaphore_mem>>
    %dma_start3A_67 = tpu.memref_slice %arg3[%multiple_of3A_46] : memref<6400000xf32, #tpu.memory_space<hbm>> -> memref<6400xf32, #tpu.memory_space<hbm>>
    tpu.enqueue_dma source(%dma_start3A_67 : memref<6400xf32, #tpu.memory_space<hbm>>) target(%arg15 : memref<6400xf32, #tpu.memory_space<vmem>>) target_semaphore(%dma_start3A_66 : memref<!tpu.dma_semaphore, #tpu.memory_space<semaphore_mem>>)
    %barrier3A = arith.constant 0 : index
    tpu.barrier barrier_id(%barrier3A)
    %scan3A_68 = arith.constant 0 : i32
    %scan3A_69 = arith.constant 0 : i32
    %scan3A_70 = arith.constant 9 : i32
    %scan3A_71 = arith.addi %scan3A_69, %scan3A_70 : i32
    %scan3A_72 = arith.constant 1 : i32
    scf.for %scan3A_79 = %scan3A_69 to %scan3A_71 step %scan3A_72  : i32 {
      %mul3A_80 = arith.constant 4 : i32
      %mul3A_81 = arith.muli %scan3A_79, %mul3A_80 : i32
      %add3A_82 = arith.constant 0 : i32
      %add3A_83 = arith.addi %mul3A_81, %add3A_82 : i32
      %mul3A_84 = arith.constant 32 : i32
      %mul3A_85 = arith.muli %add3A_83, %mul3A_84 : i32
      %add3A_86 = arith.addi %mul3A_85, %add3A : i32
      %lt3A_87 = arith.constant 1000 : i32
      %lt3A_88 = arith.cmpi slt, %add3A_86, %lt3A_87 : i32
      %convert_element_type3A_89 = arith.extui %lt3A_88 : i1 to i32
      %cond3A_90 = arith.constant 0 : i32
      %cond3A_91 = arith.cmpi ne, %convert_element_type3A_89, %cond3A_90 : i32
      scf.if %cond3A_91 {
        %mul3A_234 = arith.constant 6400 : i32
        %mul3A_235 = arith.muli %add3A_86, %mul3A_234 : i32
        %multiple_of3A_236 = tpu.assume_multiple %mul3A_235, 8 : i32
        %dma_wait3A = arith.constant 0 : i32
        %dma_wait3A_237 = arith.constant 0 : i32
        %dma_wait3A_238 = tpu.memref_slice %arg2[%dma_wait3A, %multiple_of3A_236] : memref<2x6400000xi32, #tpu.memory_space<hbm>> -> memref<1x6400xi32, #tpu.memory_space<hbm>>
        %dma_wait3A_239 = tpu.memref_squeeze %dma_wait3A_238 : memref<1x6400xi32, #tpu.memory_space<hbm>> -> memref<6400xi32, #tpu.memory_space<hbm>>
        %dma_wait3A_240 = tpu.memref_slice %arg24[%dma_wait3A_237] : memref<4x!tpu.dma_semaphore, #tpu.memory_space<semaphore_mem>> -> memref<1x!tpu.dma_semaphore, #tpu.memory_space<semaphore_mem>>
        %dma_wait3A_241 = tpu.memref_squeeze %dma_wait3A_240 : memref<1x!tpu.dma_semaphore, #tpu.memory_space<semaphore_mem>> -> memref<!tpu.dma_semaphore, #tpu.memory_space<semaphore_mem>>
        %dma_wait3A_242 = tpu.memref_slice %arg2[%dma_wait3A, %multiple_of3A_236] : memref<2x6400000xi32, #tpu.memory_space<hbm>> -> memref<1x6400xi32, #tpu.memory_space<hbm>>
        %dma_wait3A_243 = tpu.memref_squeeze %dma_wait3A_242 : memref<1x6400xi32, #tpu.memory_space<hbm>> -> memref<6400xi32, #tpu.memory_space<hbm>>
        tpu.wait_dma2 semaphore(%dma_wait3A_241 : memref<!tpu.dma_semaphore, #tpu.memory_space<semaphore_mem>>) src(%dma_wait3A_243 : memref<6400xi32, #tpu.memory_space<hbm>>) dst(%arg6 : memref<6400xi32, #tpu.memory_space<vmem>>)
        %dma_wait3A_244 = arith.constant 1 : i32
        %dma_wait3A_245 = arith.constant 0 : i32
        %dma_wait3A_246 = tpu.memref_slice %arg2[%dma_wait3A_244, %multiple_of3A_236] : memref<2x6400000xi32, #tpu.memory_space<hbm>> -> memref<1x6400xi32, #tpu.memory_space<hbm>>
        %dma_wait3A_247 = tpu.memref_squeeze %dma_wait3A_246 : memref<1x6400xi32, #tpu.memory_space<hbm>> -> memref<6400xi32, #tpu.memory_space<hbm>>
        %dma_wait3A_248 = tpu.memref_slice %arg24[%dma_wait3A_245] : memref<4x!tpu.dma_semaphore, #tpu.memory_space<semaphore_mem>> -> memref<1x!tpu.dma_semaphore, #tpu.memory_space<semaphore_mem>>
        %dma_wait3A_249 = tpu.memref_squeeze %dma_wait3A_248 : memref<1x!tpu.dma_semaphore, #tpu.memory_space<semaphore_mem>> -> memref<!tpu.dma_semaphore, #tpu.memory_space<semaphore_mem>>
        %dma_wait3A_250 = tpu.memref_slice %arg2[%dma_wait3A_244, %multiple_of3A_236] : memref<2x6400000xi32, #tpu.memory_space<hbm>> -> memref<1x6400xi32, #tpu.memory_space<hbm>>
        %dma_wait3A_251 = tpu.memref_squeeze %dma_wait3A_250 : memref<1x6400xi32, #tpu.memory_space<hbm>> -> memref<6400xi32, #tpu.memory_space<hbm>>
        tpu.wait_dma2 semaphore(%dma_wait3A_249 : memref<!tpu.dma_semaphore, #tpu.memory_space<semaphore_mem>>) src(%dma_wait3A_251 : memref<6400xi32, #tpu.memory_space<hbm>>) dst(%arg10 : memref<6400xi32, #tpu.memory_space<vmem>>)
        %dma_wait3A_252 = arith.constant 0 : i32
        %dma_wait3A_253 = tpu.memref_slice %arg3[%multiple_of3A_236] : memref<6400000xf32, #tpu.memory_space<hbm>> -> memref<6400xf32, #tpu.memory_space<hbm>>
        %dma_wait3A_254 = tpu.memref_slice %arg24[%dma_wait3A_252] : memref<4x!tpu.dma_semaphore, #tpu.memory_space<semaphore_mem>> -> memref<1x!tpu.dma_semaphore, #tpu.memory_space<semaphore_mem>>
        %dma_wait3A_255 = tpu.memref_squeeze %dma_wait3A_254 : memref<1x!tpu.dma_semaphore, #tpu.memory_space<semaphore_mem>> -> memref<!tpu.dma_semaphore, #tpu.memory_space<semaphore_mem>>
        %dma_wait3A_256 = tpu.memref_slice %arg3[%multiple_of3A_236] : memref<6400000xf32, #tpu.memory_space<hbm>> -> memref<6400xf32, #tpu.memory_space<hbm>>
        tpu.wait_dma2 semaphore(%dma_wait3A_255 : memref<!tpu.dma_semaphore, #tpu.memory_space<semaphore_mem>>) src(%dma_wait3A_256 : memref<6400xf32, #tpu.memory_space<hbm>>) dst(%arg14 : memref<6400xf32, #tpu.memory_space<vmem>>)
        %dma_start3A_257 = arith.constant 0 : i32
        %dma_start3A_258 = arith.constant 0 : i32
        %dma_start3A_259 = tpu.memref_slice %arg22[%dma_start3A_258] : memref<100000xf32, #tpu.memory_space<vmem_shared>> -> memref<100000xf32, #tpu.memory_space<vmem_shared>>
        %dma_start3A_260 = tpu.memref_slice %arg25[%dma_start3A_257] : memref<4x!tpu.dma_semaphore, #tpu.memory_space<semaphore_mem>> -> memref<1x!tpu.dma_semaphore, #tpu.memory_space<semaphore_mem>>
        %dma_start3A_261 = tpu.memref_squeeze %dma_start3A_260 : memref<1x!tpu.dma_semaphore, #tpu.memory_space<semaphore_mem>> -> memref<!tpu.dma_semaphore, #tpu.memory_space<semaphore_mem>>
        tpu.enqueue_indirect_dma source(%dma_start3A_259 : memref<100000xf32, #tpu.memory_space<vmem_shared>>) target(%arg18 : memref<6400xf32, #tpu.memory_space<vmem>>) offsets(%arg6 : memref<6400xi32, #tpu.memory_space<vmem>>) semaphore(%dma_start3A_261 : memref<!tpu.dma_semaphore, #tpu.memory_space<semaphore_mem>>)
      } else {
      }
      %sub3A_92 = arith.constant 32 : i32
      %sub3A_93 = arith.subi %add3A_86, %sub3A_92 : i32
      %ge3A = arith.constant 1 : i32
      %ge3A_94 = arith.cmpi sge, %add3A_83, %ge3A : i32
      %lt3A_95 = arith.constant 1000 : i32
      %lt3A_96 = arith.cmpi slt, %sub3A_93, %lt3A_95 : i32
      %and3A = arith.andi %ge3A_94, %lt3A_96 : i1
      %convert_element_type3A_97 = arith.extui %and3A : i1 to i32
      %cond3A_98 = arith.constant 0 : i32
      %cond3A_99 = arith.cmpi ne, %convert_element_type3A_97, %cond3A_98 : i32
      scf.if %cond3A_99 {
        %dma_wait3A = arith.constant 3 : i32
        %dma_wait3A_234 = arith.constant 0 : i32
        %dma_wait3A_235 = tpu.memref_slice %arg22[%dma_wait3A_234] : memref<100000xf32, #tpu.memory_space<vmem_shared>> -> memref<100000xf32, #tpu.memory_space<vmem_shared>>
        %dma_wait3A_236 = tpu.memref_slice %arg25[%dma_wait3A] : memref<4x!tpu.dma_semaphore, #tpu.memory_space<semaphore_mem>> -> memref<1x!tpu.dma_semaphore, #tpu.memory_space<semaphore_mem>>
        %dma_wait3A_237 = tpu.memref_squeeze %dma_wait3A_236 : memref<1x!tpu.dma_semaphore, #tpu.memory_space<semaphore_mem>> -> memref<!tpu.dma_semaphore, #tpu.memory_space<semaphore_mem>>
        tpu.wait_indirect_dma semaphore(%dma_wait3A_237 : memref<!tpu.dma_semaphore, #tpu.memory_space<semaphore_mem>>) src(%dma_wait3A_235 : memref<100000xf32, #tpu.memory_space<vmem_shared>>) dst(%arg21 : memref<6400xf32, #tpu.memory_space<vmem>>)
        %scan3A_238 = arith.constant 0 : i32
        %scan3A_239 = arith.constant 0 : i32
        %scan3A_240 = arith.constant 100 : i32
        %scan3A_241 = arith.addi %scan3A_239, %scan3A_240 : i32
        %scan3A_242 = arith.constant 1 : i32
        scf.for %scan3A_249 = %scan3A_239 to %scan3A_241 step %scan3A_242  : i32 {
          %mul3A_250 = arith.constant 64 : i32
          %mul3A_251 = arith.muli %scan3A_249, %mul3A_250 : i32
          %add3A_252 = arith.constant 0 : i32
          %add3A_253 = arith.addi %mul3A_251, %add3A_252 : i32
          %get3A = arith.index_cast %add3A_253 : i32 to index
          %get3A_254 = tpu.vector_load %arg21[%get3A] {strides = array<i32>} : memref<6400xf32, #tpu.memory_space<vmem>>, vector<16xf32>,
          %get3A_255 = arith.index_cast %add3A_253 : i32 to index
          %get3A_256 = tpu.vector_load %arg17[%get3A_255] {strides = array<i32>} : memref<6400xf32, #tpu.memory_space<vmem>>, vector<16xf32>,
          %mul3A_257 = arith.mulf %get3A_254, %get3A_256 : vector<16xf32>
          %swap3A = arith.index_cast %add3A_253 : i32 to index
          %swap3A_258 = tpu.vector_load %arg17[%swap3A] {strides = array<i32>} : memref<6400xf32, #tpu.memory_space<vmem>>, vector<16xf32>,
          tpu.vector_store %arg17[%swap3A], %mul3A_257 {strides = array<i32>} : memref<6400xf32, #tpu.memory_space<vmem>>, vector<16xf32>,
          %mul3A_259 = arith.constant 64 : i32
          %mul3A_260 = arith.muli %scan3A_249, %mul3A_259 : i32
          %add3A_261 = arith.constant 16 : i32
          %add3A_262 = arith.addi %mul3A_260, %add3A_261 : i32
          %get3A_263 = arith.index_cast %add3A_262 : i32 to index
          %get3A_264 = tpu.vector_load %arg21[%get3A_263] {strides = array<i32>} : memref<6400xf32, #tpu.memory_space<vmem>>, vector<16xf32>,
          %get3A_265 = arith.index_cast %add3A_262 : i32 to index
          %get3A_266 = tpu.vector_load %arg17[%get3A_265] {strides = array<i32>} : memref<6400xf32, #tpu.memory_space<vmem>>, vector<16xf32>,
          %mul3A_267 = arith.mulf %get3A_264, %get3A_266 : vector<16xf32>
          %swap3A_268 = arith.index_cast %add3A_262 : i32 to index
          %swap3A_269 = tpu.vector_load %arg17[%swap3A_268] {strides = array<i32>} : memref<6400xf32, #tpu.memory_space<vmem>>, vector<16xf32>,
          tpu.vector_store %arg17[%swap3A_268], %mul3A_267 {strides = array<i32>} : memref<6400xf32, #tpu.memory_space<vmem>>, vector<16xf32>,
          %mul3A_270 = arith.constant 64 : i32
          %mul3A_271 = arith.muli %scan3A_249, %mul3A_270 : i32
          %add3A_272 = arith.constant 32 : i32
          %add3A_273 = arith.addi %mul3A_271, %add3A_272 : i32
          %get3A_274 = arith.index_cast %add3A_273 : i32 to index
          %get3A_275 = tpu.vector_load %arg21[%get3A_274] {strides = array<i32>} : memref<6400xf32, #tpu.memory_space<vmem>>, vector<16xf32>,
          %get3A_276 = arith.index_cast %add3A_273 : i32 to index
          %get3A_277 = tpu.vector_load %arg17[%get3A_276] {strides = array<i32>} : memref<6400xf32, #tpu.memory_space<vmem>>, vector<16xf32>,
          %mul3A_278 = arith.mulf %get3A_275, %get3A_277 : vector<16xf32>
          %swap3A_279 = arith.index_cast %add3A_273 : i32 to index
          %swap3A_280 = tpu.vector_load %arg17[%swap3A_279] {strides = array<i32>} : memref<6400xf32, #tpu.memory_space<vmem>>, vector<16xf32>,
          tpu.vector_store %arg17[%swap3A_279], %mul3A_278 {strides = array<i32>} : memref<6400xf32, #tpu.memory_space<vmem>>, vector<16xf32>,
          %mul3A_281 = arith.constant 64 : i32
          %mul3A_282 = arith.muli %scan3A_249, %mul3A_281 : i32
          %add3A_283 = arith.constant 48 : i32
          %add3A_284 = arith.addi %mul3A_282, %add3A_283 : i32
          %get3A_285 = arith.index_cast %add3A_284 : i32 to index
          %get3A_286 = tpu.vector_load %arg21[%get3A_285] {strides = array<i32>} : memref<6400xf32, #tpu.memory_space<vmem>>, vector<16xf32>,
          %get3A_287 = arith.index_cast %add3A_284 : i32 to index
          %get3A_288 = tpu.vector_load %arg17[%get3A_287] {strides = array<i32>} : memref<6400xf32, #tpu.memory_space<vmem>>, vector<16xf32>,
          %mul3A_289 = arith.mulf %get3A_286, %get3A_288 : vector<16xf32>
          %swap3A_290 = arith.index_cast %add3A_284 : i32 to index
          %swap3A_291 = tpu.vector_load %arg17[%swap3A_290] {strides = array<i32>} : memref<6400xf32, #tpu.memory_space<vmem>>, vector<16xf32>,
          tpu.vector_store %arg17[%swap3A_290], %mul3A_289 {strides = array<i32>} : memref<6400xf32, #tpu.memory_space<vmem>>, vector<16xf32>,
        }
        %scan3A_243 = arith.constant 100 : i32
        %dma_start3A_244 = arith.constant 3 : i32
        %dma_start3A_245 = arith.constant 0 : i32
        %dma_start3A_246 = tpu.memref_slice %arg23[%dma_start3A_245] : memref<100352xf32, #tpu.memory_space<vmem_shared>> -> memref<100352xf32, #tpu.memory_space<vmem_shared>>
        %dma_start3A_247 = tpu.memref_slice %arg26[%dma_start3A_244] : memref<4x!tpu.dma_semaphore, #tpu.memory_space<semaphore_mem>> -> memref<1x!tpu.dma_semaphore, #tpu.memory_space<semaphore_mem>>
        %dma_start3A_248 = tpu.memref_squeeze %dma_start3A_247 : memref<1x!tpu.dma_semaphore, #tpu.memory_space<semaphore_mem>> -> memref<!tpu.dma_semaphore, #tpu.memory_space<semaphore_mem>>
        tpu.enqueue_indirect_dma source(%arg17 : memref<6400xf32, #tpu.memory_space<vmem>>) target(%dma_start3A_246 : memref<100352xf32, #tpu.memory_space<vmem_shared>>) offsets(%arg13 : memref<6400xi32, #tpu.memory_space<vmem>>) semaphore(%dma_start3A_248 : memref<!tpu.dma_semaphore, #tpu.memory_space<semaphore_mem>>) {add = true}
      } else {
      }
      %sub3A_100 = arith.constant 64 : i32
      %sub3A_101 = arith.subi %add3A_86, %sub3A_100 : i32
      %ge3A_102 = arith.constant 2 : i32
      %ge3A_103 = arith.cmpi sge, %add3A_83, %ge3A_102 : i32
      %lt3A_104 = arith.constant 1000 : i32
      %lt3A_105 = arith.cmpi slt, %sub3A_101, %lt3A_104 : i32
      %and3A_106 = arith.andi %ge3A_103, %lt3A_105 : i1
      %convert_element_type3A_107 = arith.extui %and3A_106 : i1 to i32
      %cond3A_108 = arith.constant 0 : i32
      %cond3A_109 = arith.cmpi ne, %convert_element_type3A_107, %cond3A_108 : i32
      scf.if %cond3A_109 {
        %dma_wait3A = arith.constant 2 : i32
        %dma_wait3A_234 = arith.constant 0 : i32
        %dma_wait3A_235 = tpu.memref_slice %arg23[%dma_wait3A_234] : memref<100352xf32, #tpu.memory_space<vmem_shared>> -> memref<100352xf32, #tpu.memory_space<vmem_shared>>
        %dma_wait3A_236 = tpu.memref_slice %arg26[%dma_wait3A] : memref<4x!tpu.dma_semaphore, #tpu.memory_space<semaphore_mem>> -> memref<1x!tpu.dma_semaphore, #tpu.memory_space<semaphore_mem>>
        %dma_wait3A_237 = tpu.memref_squeeze %dma_wait3A_236 : memref<1x!tpu.dma_semaphore, #tpu.memory_space<semaphore_mem>> -> memref<!tpu.dma_semaphore, #tpu.memory_space<semaphore_mem>>
        tpu.wait_indirect_dma semaphore(%dma_wait3A_237 : memref<!tpu.dma_semaphore, #tpu.memory_space<semaphore_mem>>) src(%arg16 : memref<6400xf32, #tpu.memory_space<vmem>>) dst(%dma_wait3A_235 : memref<100352xf32, #tpu.memory_space<vmem_shared>>)
      } else {
      }
      %add3A_110 = arith.constant 64 : i32
      %add3A_111 = arith.addi %add3A_86, %add3A_110 : i32
      %lt3A_112 = arith.constant 1000 : i32
      %lt3A_113 = arith.cmpi slt, %add3A_111, %lt3A_112 : i32
      %convert_element_type3A_114 = arith.extui %lt3A_113 : i1 to i32
      %cond3A_115 = arith.constant 0 : i32
      %cond3A_116 = arith.cmpi ne, %convert_element_type3A_114, %cond3A_115 : i32
      scf.if %cond3A_116 {
        %mul3A_234 = arith.constant 6400 : i32
        %mul3A_235 = arith.muli %add3A_111, %mul3A_234 : i32
        %multiple_of3A_236 = tpu.assume_multiple %mul3A_235, 8 : i32
        %dma_start3A_237 = arith.constant 0 : i32
        %dma_start3A_238 = arith.constant 2 : i32
        %dma_start3A_239 = tpu.memref_slice %arg2[%dma_start3A_237, %multiple_of3A_236] : memref<2x6400000xi32, #tpu.memory_space<hbm>> -> memref<1x6400xi32, #tpu.memory_space<hbm>>
        %dma_start3A_240 = tpu.memref_squeeze %dma_start3A_239 : memref<1x6400xi32, #tpu.memory_space<hbm>> -> memref<6400xi32, #tpu.memory_space<hbm>>
        %dma_start3A_241 = tpu.memref_slice %arg24[%dma_start3A_238] : memref<4x!tpu.dma_semaphore, #tpu.memory_space<semaphore_mem>> -> memref<1x!tpu.dma_semaphore, #tpu.memory_space<semaphore_mem>>
        %dma_start3A_242 = tpu.memref_squeeze %dma_start3A_241 : memref<1x!tpu.dma_semaphore, #tpu.memory_space<semaphore_mem>> -> memref<!tpu.dma_semaphore, #tpu.memory_space<semaphore_mem>>
        %dma_start3A_243 = tpu.memref_slice %arg2[%dma_start3A_237, %multiple_of3A_236] : memref<2x6400000xi32, #tpu.memory_space<hbm>> -> memref<1x6400xi32, #tpu.memory_space<hbm>>
        %dma_start3A_244 = tpu.memref_squeeze %dma_start3A_243 : memref<1x6400xi32, #tpu.memory_space<hbm>> -> memref<6400xi32, #tpu.memory_space<hbm>>
        tpu.enqueue_dma source(%dma_start3A_244 : memref<6400xi32, #tpu.memory_space<hbm>>) target(%arg8 : memref<6400xi32, #tpu.memory_space<vmem>>) target_semaphore(%dma_start3A_242 : memref<!tpu.dma_semaphore, #tpu.memory_space<semaphore_mem>>)
        %dma_start3A_245 = arith.constant 1 : i32
        %dma_start3A_246 = arith.constant 2 : i32
        %dma_start3A_247 = tpu.memref_slice %arg2[%dma_start3A_245, %multiple_of3A_236] : memref<2x6400000xi32, #tpu.memory_space<hbm>> -> memref<1x6400xi32, #tpu.memory_space<hbm>>
        %dma_start3A_248 = tpu.memref_squeeze %dma_start3A_247 : memref<1x6400xi32, #tpu.memory_space<hbm>> -> memref<6400xi32, #tpu.memory_space<hbm>>
        %dma_start3A_249 = tpu.memref_slice %arg24[%dma_start3A_246] : memref<4x!tpu.dma_semaphore, #tpu.memory_space<semaphore_mem>> -> memref<1x!tpu.dma_semaphore, #tpu.memory_space<semaphore_mem>>
        %dma_start3A_250 = tpu.memref_squeeze %dma_start3A_249 : memref<1x!tpu.dma_semaphore, #tpu.memory_space<semaphore_mem>> -> memref<!tpu.dma_semaphore, #tpu.memory_space<semaphore_mem>>
        %dma_start3A_251 = tpu.memref_slice %arg2[%dma_start3A_245, %multiple_of3A_236] : memref<2x6400000xi32, #tpu.memory_space<hbm>> -> memref<1x6400xi32, #tpu.memory_space<hbm>>
        %dma_start3A_252 = tpu.memref_squeeze %dma_start3A_251 : memref<1x6400xi32, #tpu.memory_space<hbm>> -> memref<6400xi32, #tpu.memory_space<hbm>>
        tpu.enqueue_dma source(%dma_start3A_252 : memref<6400xi32, #tpu.memory_space<hbm>>) target(%arg12 : memref<6400xi32, #tpu.memory_space<vmem>>) target_semaphore(%dma_start3A_250 : memref<!tpu.dma_semaphore, #tpu.memory_space<semaphore_mem>>)
        %dma_start3A_253 = arith.constant 2 : i32
        %dma_start3A_254 = tpu.memref_slice %arg3[%multiple_of3A_236] : memref<6400000xf32, #tpu.memory_space<hbm>> -> memref<6400xf32, #tpu.memory_space<hbm>>
        %dma_start3A_255 = tpu.memref_slice %arg24[%dma_start3A_253] : memref<4x!tpu.dma_semaphore, #tpu.memory_space<semaphore_mem>> -> memref<1x!tpu.dma_semaphore, #tpu.memory_space<semaphore_mem>>
        %dma_start3A_256 = tpu.memref_squeeze %dma_start3A_255 : memref<1x!tpu.dma_semaphore, #tpu.memory_space<semaphore_mem>> -> memref<!tpu.dma_semaphore, #tpu.memory_space<semaphore_mem>>
        %dma_start3A_257 = tpu.memref_slice %arg3[%multiple_of3A_236] : memref<6400000xf32, #tpu.memory_space<hbm>> -> memref<6400xf32, #tpu.memory_space<hbm>>
        tpu.enqueue_dma source(%dma_start3A_257 : memref<6400xf32, #tpu.memory_space<hbm>>) target(%arg16 : memref<6400xf32, #tpu.memory_space<vmem>>) target_semaphore(%dma_start3A_256 : memref<!tpu.dma_semaphore, #tpu.memory_space<semaphore_mem>>)
      } else {
      }
      %mul3A_117 = arith.constant 4 : i32
      %mul3A_118 = arith.muli %scan3A_79, %mul3A_117 : i32
      %add3A_119 = arith.constant 1 : i32
      %add3A_120 = arith.addi %mul3A_118, %add3A_119 : i32
      %mul3A_121 = arith.constant 32 : i32
      %mul3A_122 = arith.muli %add3A_120, %mul3A_121 : i32
      %add3A_123 = arith.addi %mul3A_122, %add3A : i32
      %lt3A_124 = arith.constant 1000 : i32
      %lt3A_125 = arith.cmpi slt, %add3A_123, %lt3A_124 : i32
      %convert_element_type3A_126 = arith.extui %lt3A_125 : i1 to i32
      %cond3A_127 = arith.constant 0 : i32
      %cond3A_128 = arith.cmpi ne, %convert_element_type3A_126, %cond3A_127 : i32
      scf.if %cond3A_128 {
        %mul3A_234 = arith.constant 6400 : i32
        %mul3A_235 = arith.muli %add3A_123, %mul3A_234 : i32
        %multiple_of3A_236 = tpu.assume_multiple %mul3A_235, 8 : i32
        %dma_wait3A = arith.constant 0 : i32
        %dma_wait3A_237 = arith.constant 1 : i32
        %dma_wait3A_238 = tpu.memref_slice %arg2[%dma_wait3A, %multiple_of3A_236] : memref<2x6400000xi32, #tpu.memory_space<hbm>> -> memref<1x6400xi32, #tpu.memory_space<hbm>>
        %dma_wait3A_239 = tpu.memref_squeeze %dma_wait3A_238 : memref<1x6400xi32, #tpu.memory_space<hbm>> -> memref<6400xi32, #tpu.memory_space<hbm>>
        %dma_wait3A_240 = tpu.memref_slice %arg24[%dma_wait3A_237] : memref<4x!tpu.dma_semaphore, #tpu.memory_space<semaphore_mem>> -> memref<1x!tpu.dma_semaphore, #tpu.memory_space<semaphore_mem>>
        %dma_wait3A_241 = tpu.memref_squeeze %dma_wait3A_240 : memref<1x!tpu.dma_semaphore, #tpu.memory_space<semaphore_mem>> -> memref<!tpu.dma_semaphore, #tpu.memory_space<semaphore_mem>>
        %dma_wait3A_242 = tpu.memref_slice %arg2[%dma_wait3A, %multiple_of3A_236] : memref<2x6400000xi32, #tpu.memory_space<hbm>> -> memref<1x6400xi32, #tpu.memory_space<hbm>>
        %dma_wait3A_243 = tpu.memref_squeeze %dma_wait3A_242 : memref<1x6400xi32, #tpu.memory_space<hbm>> -> memref<6400xi32, #tpu.memory_space<hbm>>
        tpu.wait_dma2 semaphore(%dma_wait3A_241 : memref<!tpu.dma_semaphore, #tpu.memory_space<semaphore_mem>>) src(%dma_wait3A_243 : memref<6400xi32, #tpu.memory_space<hbm>>) dst(%arg7 : memref<6400xi32, #tpu.memory_space<vmem>>)
        %dma_wait3A_244 = arith.constant 1 : i32
        %dma_wait3A_245 = arith.constant 1 : i32
        %dma_wait3A_246 = tpu.memref_slice %arg2[%dma_wait3A_244, %multiple_of3A_236] : memref<2x6400000xi32, #tpu.memory_space<hbm>> -> memref<1x6400xi32, #tpu.memory_space<hbm>>
        %dma_wait3A_247 = tpu.memref_squeeze %dma_wait3A_246 : memref<1x6400xi32, #tpu.memory_space<hbm>> -> memref<6400xi32, #tpu.memory_space<hbm>>
        %dma_wait3A_248 = tpu.memref_slice %arg24[%dma_wait3A_245] : memref<4x!tpu.dma_semaphore, #tpu.memory_space<semaphore_mem>> -> memref<1x!tpu.dma_semaphore, #tpu.memory_space<semaphore_mem>>
        %dma_wait3A_249 = tpu.memref_squeeze %dma_wait3A_248 : memref<1x!tpu.dma_semaphore, #tpu.memory_space<semaphore_mem>> -> memref<!tpu.dma_semaphore, #tpu.memory_space<semaphore_mem>>
        %dma_wait3A_250 = tpu.memref_slice %arg2[%dma_wait3A_244, %multiple_of3A_236] : memref<2x6400000xi32, #tpu.memory_space<hbm>> -> memref<1x6400xi32, #tpu.memory_space<hbm>>
        %dma_wait3A_251 = tpu.memref_squeeze %dma_wait3A_250 : memref<1x6400xi32, #tpu.memory_space<hbm>> -> memref<6400xi32, #tpu.memory_space<hbm>>
        tpu.wait_dma2 semaphore(%dma_wait3A_249 : memref<!tpu.dma_semaphore, #tpu.memory_space<semaphore_mem>>) src(%dma_wait3A_251 : memref<6400xi32, #tpu.memory_space<hbm>>) dst(%arg11 : memref<6400xi32, #tpu.memory_space<vmem>>)
        %dma_wait3A_252 = arith.constant 1 : i32
        %dma_wait3A_253 = tpu.memref_slice %arg3[%multiple_of3A_236] : memref<6400000xf32, #tpu.memory_space<hbm>> -> memref<6400xf32, #tpu.memory_space<hbm>>
        %dma_wait3A_254 = tpu.memref_slice %arg24[%dma_wait3A_252] : memref<4x!tpu.dma_semaphore, #tpu.memory_space<semaphore_mem>> -> memref<1x!tpu.dma_semaphore, #tpu.memory_space<semaphore_mem>>
        %dma_wait3A_255 = tpu.memref_squeeze %dma_wait3A_254 : memref<1x!tpu.dma_semaphore, #tpu.memory_space<semaphore_mem>> -> memref<!tpu.dma_semaphore, #tpu.memory_space<semaphore_mem>>
        %dma_wait3A_256 = tpu.memref_slice %arg3[%multiple_of3A_236] : memref<6400000xf32, #tpu.memory_space<hbm>> -> memref<6400xf32, #tpu.memory_space<hbm>>
        tpu.wait_dma2 semaphore(%dma_wait3A_255 : memref<!tpu.dma_semaphore, #tpu.memory_space<semaphore_mem>>) src(%dma_wait3A_256 : memref<6400xf32, #tpu.memory_space<hbm>>) dst(%arg15 : memref<6400xf32, #tpu.memory_space<vmem>>)
        %dma_start3A_257 = arith.constant 1 : i32
        %dma_start3A_258 = arith.constant 0 : i32
        %dma_start3A_259 = tpu.memref_slice %arg22[%dma_start3A_258] : memref<100000xf32, #tpu.memory_space<vmem_shared>> -> memref<100000xf32, #tpu.memory_space<vmem_shared>>
        %dma_start3A_260 = tpu.memref_slice %arg25[%dma_start3A_257] : memref<4x!tpu.dma_semaphore, #tpu.memory_space<semaphore_mem>> -> memref<1x!tpu.dma_semaphore, #tpu.memory_space<semaphore_mem>>
        %dma_start3A_261 = tpu.memref_squeeze %dma_start3A_260 : memref<1x!tpu.dma_semaphore, #tpu.memory_space<semaphore_mem>> -> memref<!tpu.dma_semaphore, #tpu.memory_space<semaphore_mem>>
        tpu.enqueue_indirect_dma source(%dma_start3A_259 : memref<100000xf32, #tpu.memory_space<vmem_shared>>) target(%arg19 : memref<6400xf32, #tpu.memory_space<vmem>>) offsets(%arg7 : memref<6400xi32, #tpu.memory_space<vmem>>) semaphore(%dma_start3A_261 : memref<!tpu.dma_semaphore, #tpu.memory_space<semaphore_mem>>)
      } else {
      }
      %sub3A_129 = arith.constant 32 : i32
      %sub3A_130 = arith.subi %add3A_123, %sub3A_129 : i32
      %ge3A_131 = arith.constant 1 : i32
      %ge3A_132 = arith.cmpi sge, %add3A_120, %ge3A_131 : i32
      %lt3A_133 = arith.constant 1000 : i32
      %lt3A_134 = arith.cmpi slt, %sub3A_130, %lt3A_133 : i32
      %and3A_135 = arith.andi %ge3A_132, %lt3A_134 : i1
      %convert_element_type3A_136 = arith.extui %and3A_135 : i1 to i32
      %cond3A_137 = arith.constant 0 : i32
      %cond3A_138 = arith.cmpi ne, %convert_element_type3A_136, %cond3A_137 : i32
      scf.if %cond3A_138 {
        %dma_wait3A = arith.constant 0 : i32
        %dma_wait3A_234 = arith.constant 0 : i32
        %dma_wait3A_235 = tpu.memref_slice %arg22[%dma_wait3A_234] : memref<100000xf32, #tpu.memory_space<vmem_shared>> -> memref<100000xf32, #tpu.memory_space<vmem_shared>>
        %dma_wait3A_236 = tpu.memref_slice %arg25[%dma_wait3A] : memref<4x!tpu.dma_semaphore, #tpu.memory_space<semaphore_mem>> -> memref<1x!tpu.dma_semaphore, #tpu.memory_space<semaphore_mem>>
        %dma_wait3A_237 = tpu.memref_squeeze %dma_wait3A_236 : memref<1x!tpu.dma_semaphore, #tpu.memory_space<semaphore_mem>> -> memref<!tpu.dma_semaphore, #tpu.memory_space<semaphore_mem>>
        tpu.wait_indirect_dma semaphore(%dma_wait3A_237 : memref<!tpu.dma_semaphore, #tpu.memory_space<semaphore_mem>>) src(%dma_wait3A_235 : memref<100000xf32, #tpu.memory_space<vmem_shared>>) dst(%arg18 : memref<6400xf32, #tpu.memory_space<vmem>>)
        %scan3A_238 = arith.constant 0 : i32
        %scan3A_239 = arith.constant 0 : i32
        %scan3A_240 = arith.constant 100 : i32
        %scan3A_241 = arith.addi %scan3A_239, %scan3A_240 : i32
        %scan3A_242 = arith.constant 1 : i32
        scf.for %scan3A_249 = %scan3A_239 to %scan3A_241 step %scan3A_242  : i32 {
          %mul3A_250 = arith.constant 64 : i32
          %mul3A_251 = arith.muli %scan3A_249, %mul3A_250 : i32
          %add3A_252 = arith.constant 0 : i32
          %add3A_253 = arith.addi %mul3A_251, %add3A_252 : i32
          %get3A = arith.index_cast %add3A_253 : i32 to index
          %get3A_254 = tpu.vector_load %arg18[%get3A] {strides = array<i32>} : memref<6400xf32, #tpu.memory_space<vmem>>, vector<16xf32>,
          %get3A_255 = arith.index_cast %add3A_253 : i32 to index
          %get3A_256 = tpu.vector_load %arg14[%get3A_255] {strides = array<i32>} : memref<6400xf32, #tpu.memory_space<vmem>>, vector<16xf32>,
          %mul3A_257 = arith.mulf %get3A_254, %get3A_256 : vector<16xf32>
          %swap3A = arith.index_cast %add3A_253 : i32 to index
          %swap3A_258 = tpu.vector_load %arg14[%swap3A] {strides = array<i32>} : memref<6400xf32, #tpu.memory_space<vmem>>, vector<16xf32>,
          tpu.vector_store %arg14[%swap3A], %mul3A_257 {strides = array<i32>} : memref<6400xf32, #tpu.memory_space<vmem>>, vector<16xf32>,
          %mul3A_259 = arith.constant 64 : i32
          %mul3A_260 = arith.muli %scan3A_249, %mul3A_259 : i32
          %add3A_261 = arith.constant 16 : i32
          %add3A_262 = arith.addi %mul3A_260, %add3A_261 : i32
          %get3A_263 = arith.index_cast %add3A_262 : i32 to index
          %get3A_264 = tpu.vector_load %arg18[%get3A_263] {strides = array<i32>} : memref<6400xf32, #tpu.memory_space<vmem>>, vector<16xf32>,
          %get3A_265 = arith.index_cast %add3A_262 : i32 to index
          %get3A_266 = tpu.vector_load %arg14[%get3A_265] {strides = array<i32>} : memref<6400xf32, #tpu.memory_space<vmem>>, vector<16xf32>,
          %mul3A_267 = arith.mulf %get3A_264, %get3A_266 : vector<16xf32>
          %swap3A_268 = arith.index_cast %add3A_262 : i32 to index
          %swap3A_269 = tpu.vector_load %arg14[%swap3A_268] {strides = array<i32>} : memref<6400xf32, #tpu.memory_space<vmem>>, vector<16xf32>,
          tpu.vector_store %arg14[%swap3A_268], %mul3A_267 {strides = array<i32>} : memref<6400xf32, #tpu.memory_space<vmem>>, vector<16xf32>,
          %mul3A_270 = arith.constant 64 : i32
          %mul3A_271 = arith.muli %scan3A_249, %mul3A_270 : i32
          %add3A_272 = arith.constant 32 : i32
          %add3A_273 = arith.addi %mul3A_271, %add3A_272 : i32
          %get3A_274 = arith.index_cast %add3A_273 : i32 to index
          %get3A_275 = tpu.vector_load %arg18[%get3A_274] {strides = array<i32>} : memref<6400xf32, #tpu.memory_space<vmem>>, vector<16xf32>,
          %get3A_276 = arith.index_cast %add3A_273 : i32 to index
          %get3A_277 = tpu.vector_load %arg14[%get3A_276] {strides = array<i32>} : memref<6400xf32, #tpu.memory_space<vmem>>, vector<16xf32>,
          %mul3A_278 = arith.mulf %get3A_275, %get3A_277 : vector<16xf32>
          %swap3A_279 = arith.index_cast %add3A_273 : i32 to index
          %swap3A_280 = tpu.vector_load %arg14[%swap3A_279] {strides = array<i32>} : memref<6400xf32, #tpu.memory_space<vmem>>, vector<16xf32>,
          tpu.vector_store %arg14[%swap3A_279], %mul3A_278 {strides = array<i32>} : memref<6400xf32, #tpu.memory_space<vmem>>, vector<16xf32>,
          %mul3A_281 = arith.constant 64 : i32
          %mul3A_282 = arith.muli %scan3A_249, %mul3A_281 : i32
          %add3A_283 = arith.constant 48 : i32
          %add3A_284 = arith.addi %mul3A_282, %add3A_283 : i32
          %get3A_285 = arith.index_cast %add3A_284 : i32 to index
          %get3A_286 = tpu.vector_load %arg18[%get3A_285] {strides = array<i32>} : memref<6400xf32, #tpu.memory_space<vmem>>, vector<16xf32>,
          %get3A_287 = arith.index_cast %add3A_284 : i32 to index
          %get3A_288 = tpu.vector_load %arg14[%get3A_287] {strides = array<i32>} : memref<6400xf32, #tpu.memory_space<vmem>>, vector<16xf32>,
          %mul3A_289 = arith.mulf %get3A_286, %get3A_288 : vector<16xf32>
          %swap3A_290 = arith.index_cast %add3A_284 : i32 to index
          %swap3A_291 = tpu.vector_load %arg14[%swap3A_290] {strides = array<i32>} : memref<6400xf32, #tpu.memory_space<vmem>>, vector<16xf32>,
          tpu.vector_store %arg14[%swap3A_290], %mul3A_289 {strides = array<i32>} : memref<6400xf32, #tpu.memory_space<vmem>>, vector<16xf32>,
        }
        %scan3A_243 = arith.constant 100 : i32
        %dma_start3A_244 = arith.constant 0 : i32
        %dma_start3A_245 = arith.constant 0 : i32
        %dma_start3A_246 = tpu.memref_slice %arg23[%dma_start3A_245] : memref<100352xf32, #tpu.memory_space<vmem_shared>> -> memref<100352xf32, #tpu.memory_space<vmem_shared>>
        %dma_start3A_247 = tpu.memref_slice %arg26[%dma_start3A_244] : memref<4x!tpu.dma_semaphore, #tpu.memory_space<semaphore_mem>> -> memref<1x!tpu.dma_semaphore, #tpu.memory_space<semaphore_mem>>
        %dma_start3A_248 = tpu.memref_squeeze %dma_start3A_247 : memref<1x!tpu.dma_semaphore, #tpu.memory_space<semaphore_mem>> -> memref<!tpu.dma_semaphore, #tpu.memory_space<semaphore_mem>>
        tpu.enqueue_indirect_dma source(%arg14 : memref<6400xf32, #tpu.memory_space<vmem>>) target(%dma_start3A_246 : memref<100352xf32, #tpu.memory_space<vmem_shared>>) offsets(%arg10 : memref<6400xi32, #tpu.memory_space<vmem>>) semaphore(%dma_start3A_248 : memref<!tpu.dma_semaphore, #tpu.memory_space<semaphore_mem>>) {add = true}
      } else {
      }
      %sub3A_139 = arith.constant 64 : i32
      %sub3A_140 = arith.subi %add3A_123, %sub3A_139 : i32
      %ge3A_141 = arith.constant 2 : i32
      %ge3A_142 = arith.cmpi sge, %add3A_120, %ge3A_141 : i32
      %lt3A_143 = arith.constant 1000 : i32
      %lt3A_144 = arith.cmpi slt, %sub3A_140, %lt3A_143 : i32
      %and3A_145 = arith.andi %ge3A_142, %lt3A_144 : i1
      %convert_element_type3A_146 = arith.extui %and3A_145 : i1 to i32
      %cond3A_147 = arith.constant 0 : i32
      %cond3A_148 = arith.cmpi ne, %convert_element_type3A_146, %cond3A_147 : i32
      scf.if %cond3A_148 {
        %dma_wait3A = arith.constant 3 : i32
        %dma_wait3A_234 = arith.constant 0 : i32
        %dma_wait3A_235 = tpu.memref_slice %arg23[%dma_wait3A_234] : memref<100352xf32, #tpu.memory_space<vmem_shared>> -> memref<100352xf32, #tpu.memory_space<vmem_shared>>
        %dma_wait3A_236 = tpu.memref_slice %arg26[%dma_wait3A] : memref<4x!tpu.dma_semaphore, #tpu.memory_space<semaphore_mem>> -> memref<1x!tpu.dma_semaphore, #tpu.memory_space<semaphore_mem>>
        %dma_wait3A_237 = tpu.memref_squeeze %dma_wait3A_236 : memref<1x!tpu.dma_semaphore, #tpu.memory_space<semaphore_mem>> -> memref<!tpu.dma_semaphore, #tpu.memory_space<semaphore_mem>>
        tpu.wait_indirect_dma semaphore(%dma_wait3A_237 : memref<!tpu.dma_semaphore, #tpu.memory_space<semaphore_mem>>) src(%arg17 : memref<6400xf32, #tpu.memory_space<vmem>>) dst(%dma_wait3A_235 : memref<100352xf32, #tpu.memory_space<vmem_shared>>)
      } else {
      }
      %add3A_149 = arith.constant 64 : i32
      %add3A_150 = arith.addi %add3A_123, %add3A_149 : i32
      %lt3A_151 = arith.constant 1000 : i32
      %lt3A_152 = arith.cmpi slt, %add3A_150, %lt3A_151 : i32
      %convert_element_type3A_153 = arith.extui %lt3A_152 : i1 to i32
      %cond3A_154 = arith.constant 0 : i32
      %cond3A_155 = arith.cmpi ne, %convert_element_type3A_153, %cond3A_154 : i32
      scf.if %cond3A_155 {
        %mul3A_234 = arith.constant 6400 : i32
        %mul3A_235 = arith.muli %add3A_150, %mul3A_234 : i32
        %multiple_of3A_236 = tpu.assume_multiple %mul3A_235, 8 : i32
        %dma_start3A_237 = arith.constant 0 : i32
        %dma_start3A_238 = arith.constant 3 : i32
        %dma_start3A_239 = tpu.memref_slice %arg2[%dma_start3A_237, %multiple_of3A_236] : memref<2x6400000xi32, #tpu.memory_space<hbm>> -> memref<1x6400xi32, #tpu.memory_space<hbm>>
        %dma_start3A_240 = tpu.memref_squeeze %dma_start3A_239 : memref<1x6400xi32, #tpu.memory_space<hbm>> -> memref<6400xi32, #tpu.memory_space<hbm>>
        %dma_start3A_241 = tpu.memref_slice %arg24[%dma_start3A_238] : memref<4x!tpu.dma_semaphore, #tpu.memory_space<semaphore_mem>> -> memref<1x!tpu.dma_semaphore, #tpu.memory_space<semaphore_mem>>
        %dma_start3A_242 = tpu.memref_squeeze %dma_start3A_241 : memref<1x!tpu.dma_semaphore, #tpu.memory_space<semaphore_mem>> -> memref<!tpu.dma_semaphore, #tpu.memory_space<semaphore_mem>>
        %dma_start3A_243 = tpu.memref_slice %arg2[%dma_start3A_237, %multiple_of3A_236] : memref<2x6400000xi32, #tpu.memory_space<hbm>> -> memref<1x6400xi32, #tpu.memory_space<hbm>>
        %dma_start3A_244 = tpu.memref_squeeze %dma_start3A_243 : memref<1x6400xi32, #tpu.memory_space<hbm>> -> memref<6400xi32, #tpu.memory_space<hbm>>
        tpu.enqueue_dma source(%dma_start3A_244 : memref<6400xi32, #tpu.memory_space<hbm>>) target(%arg9 : memref<6400xi32, #tpu.memory_space<vmem>>) target_semaphore(%dma_start3A_242 : memref<!tpu.dma_semaphore, #tpu.memory_space<semaphore_mem>>)
        %dma_start3A_245 = arith.constant 1 : i32
        %dma_start3A_246 = arith.constant 3 : i32
        %dma_start3A_247 = tpu.memref_slice %arg2[%dma_start3A_245, %multiple_of3A_236] : memref<2x6400000xi32, #tpu.memory_space<hbm>> -> memref<1x6400xi32, #tpu.memory_space<hbm>>
        %dma_start3A_248 = tpu.memref_squeeze %dma_start3A_247 : memref<1x6400xi32, #tpu.memory_space<hbm>> -> memref<6400xi32, #tpu.memory_space<hbm>>
        %dma_start3A_249 = tpu.memref_slice %arg24[%dma_start3A_246] : memref<4x!tpu.dma_semaphore, #tpu.memory_space<semaphore_mem>> -> memref<1x!tpu.dma_semaphore, #tpu.memory_space<semaphore_mem>>
        %dma_start3A_250 = tpu.memref_squeeze %dma_start3A_249 : memref<1x!tpu.dma_semaphore, #tpu.memory_space<semaphore_mem>> -> memref<!tpu.dma_semaphore, #tpu.memory_space<semaphore_mem>>
        %dma_start3A_251 = tpu.memref_slice %arg2[%dma_start3A_245, %multiple_of3A_236] : memref<2x6400000xi32, #tpu.memory_space<hbm>> -> memref<1x6400xi32, #tpu.memory_space<hbm>>
        %dma_start3A_252 = tpu.memref_squeeze %dma_start3A_251 : memref<1x6400xi32, #tpu.memory_space<hbm>> -> memref<6400xi32, #tpu.memory_space<hbm>>
        tpu.enqueue_dma source(%dma_start3A_252 : memref<6400xi32, #tpu.memory_space<hbm>>) target(%arg13 : memref<6400xi32, #tpu.memory_space<vmem>>) target_semaphore(%dma_start3A_250 : memref<!tpu.dma_semaphore, #tpu.memory_space<semaphore_mem>>)
        %dma_start3A_253 = arith.constant 3 : i32
        %dma_start3A_254 = tpu.memref_slice %arg3[%multiple_of3A_236] : memref<6400000xf32, #tpu.memory_space<hbm>> -> memref<6400xf32, #tpu.memory_space<hbm>>
        %dma_start3A_255 = tpu.memref_slice %arg24[%dma_start3A_253] : memref<4x!tpu.dma_semaphore, #tpu.memory_space<semaphore_mem>> -> memref<1x!tpu.dma_semaphore, #tpu.memory_space<semaphore_mem>>
        %dma_start3A_256 = tpu.memref_squeeze %dma_start3A_255 : memref<1x!tpu.dma_semaphore, #tpu.memory_space<semaphore_mem>> -> memref<!tpu.dma_semaphore, #tpu.memory_space<semaphore_mem>>
        %dma_start3A_257 = tpu.memref_slice %arg3[%multiple_of3A_236] : memref<6400000xf32, #tpu.memory_space<hbm>> -> memref<6400xf32, #tpu.memory_space<hbm>>
        tpu.enqueue_dma source(%dma_start3A_257 : memref<6400xf32, #tpu.memory_space<hbm>>) target(%arg17 : memref<6400xf32, #tpu.memory_space<vmem>>) target_semaphore(%dma_start3A_256 : memref<!tpu.dma_semaphore, #tpu.memory_space<semaphore_mem>>)
      } else {
      }
      %mul3A_156 = arith.constant 4 : i32
      %mul3A_157 = arith.muli %scan3A_79, %mul3A_156 : i32
      %add3A_158 = arith.constant 2 : i32
      %add3A_159 = arith.addi %mul3A_157, %add3A_158 : i32
      %mul3A_160 = arith.constant 32 : i32
      %mul3A_161 = arith.muli %add3A_159, %mul3A_160 : i32
      %add3A_162 = arith.addi %mul3A_161, %add3A : i32
      %lt3A_163 = arith.constant 1000 : i32
      %lt3A_164 = arith.cmpi slt, %add3A_162, %lt3A_163 : i32
      %convert_element_type3A_165 = arith.extui %lt3A_164 : i1 to i32
      %cond3A_166 = arith.constant 0 : i32
      %cond3A_167 = arith.cmpi ne, %convert_element_type3A_165, %cond3A_166 : i32
      scf.if %cond3A_167 {
        %mul3A_234 = arith.constant 6400 : i32
        %mul3A_235 = arith.muli %add3A_162, %mul3A_234 : i32
        %multiple_of3A_236 = tpu.assume_multiple %mul3A_235, 8 : i32
        %dma_wait3A = arith.constant 0 : i32
        %dma_wait3A_237 = arith.constant 2 : i32
        %dma_wait3A_238 = tpu.memref_slice %arg2[%dma_wait3A, %multiple_of3A_236] : memref<2x6400000xi32, #tpu.memory_space<hbm>> -> memref<1x6400xi32, #tpu.memory_space<hbm>>
        %dma_wait3A_239 = tpu.memref_squeeze %dma_wait3A_238 : memref<1x6400xi32, #tpu.memory_space<hbm>> -> memref<6400xi32, #tpu.memory_space<hbm>>
        %dma_wait3A_240 = tpu.memref_slice %arg24[%dma_wait3A_237] : memref<4x!tpu.dma_semaphore, #tpu.memory_space<semaphore_mem>> -> memref<1x!tpu.dma_semaphore, #tpu.memory_space<semaphore_mem>>
        %dma_wait3A_241 = tpu.memref_squeeze %dma_wait3A_240 : memref<1x!tpu.dma_semaphore, #tpu.memory_space<semaphore_mem>> -> memref<!tpu.dma_semaphore, #tpu.memory_space<semaphore_mem>>
        %dma_wait3A_242 = tpu.memref_slice %arg2[%dma_wait3A, %multiple_of3A_236] : memref<2x6400000xi32, #tpu.memory_space<hbm>> -> memref<1x6400xi32, #tpu.memory_space<hbm>>
        %dma_wait3A_243 = tpu.memref_squeeze %dma_wait3A_242 : memref<1x6400xi32, #tpu.memory_space<hbm>> -> memref<6400xi32, #tpu.memory_space<hbm>>
        tpu.wait_dma2 semaphore(%dma_wait3A_241 : memref<!tpu.dma_semaphore, #tpu.memory_space<semaphore_mem>>) src(%dma_wait3A_243 : memref<6400xi32, #tpu.memory_space<hbm>>) dst(%arg8 : memref<6400xi32, #tpu.memory_space<vmem>>)
        %dma_wait3A_244 = arith.constant 1 : i32
        %dma_wait3A_245 = arith.constant 2 : i32
        %dma_wait3A_246 = tpu.memref_slice %arg2[%dma_wait3A_244, %multiple_of3A_236] : memref<2x6400000xi32, #tpu.memory_space<hbm>> -> memref<1x6400xi32, #tpu.memory_space<hbm>>
        %dma_wait3A_247 = tpu.memref_squeeze %dma_wait3A_246 : memref<1x6400xi32, #tpu.memory_space<hbm>> -> memref<6400xi32, #tpu.memory_space<hbm>>
        %dma_wait3A_248 = tpu.memref_slice %arg24[%dma_wait3A_245] : memref<4x!tpu.dma_semaphore, #tpu.memory_space<semaphore_mem>> -> memref<1x!tpu.dma_semaphore, #tpu.memory_space<semaphore_mem>>
        %dma_wait3A_249 = tpu.memref_squeeze %dma_wait3A_248 : memref<1x!tpu.dma_semaphore, #tpu.memory_space<semaphore_mem>> -> memref<!tpu.dma_semaphore, #tpu.memory_space<semaphore_mem>>
        %dma_wait3A_250 = tpu.memref_slice %arg2[%dma_wait3A_244, %multiple_of3A_236] : memref<2x6400000xi32, #tpu.memory_space<hbm>> -> memref<1x6400xi32, #tpu.memory_space<hbm>>
        %dma_wait3A_251 = tpu.memref_squeeze %dma_wait3A_250 : memref<1x6400xi32, #tpu.memory_space<hbm>> -> memref<6400xi32, #tpu.memory_space<hbm>>
        tpu.wait_dma2 semaphore(%dma_wait3A_249 : memref<!tpu.dma_semaphore, #tpu.memory_space<semaphore_mem>>) src(%dma_wait3A_251 : memref<6400xi32, #tpu.memory_space<hbm>>) dst(%arg12 : memref<6400xi32, #tpu.memory_space<vmem>>)
        %dma_wait3A_252 = arith.constant 2 : i32
        %dma_wait3A_253 = tpu.memref_slice %arg3[%multiple_of3A_236] : memref<6400000xf32, #tpu.memory_space<hbm>> -> memref<6400xf32, #tpu.memory_space<hbm>>
        %dma_wait3A_254 = tpu.memref_slice %arg24[%dma_wait3A_252] : memref<4x!tpu.dma_semaphore, #tpu.memory_space<semaphore_mem>> -> memref<1x!tpu.dma_semaphore, #tpu.memory_space<semaphore_mem>>
        %dma_wait3A_255 = tpu.memref_squeeze %dma_wait3A_254 : memref<1x!tpu.dma_semaphore, #tpu.memory_space<semaphore_mem>> -> memref<!tpu.dma_semaphore, #tpu.memory_space<semaphore_mem>>
        %dma_wait3A_256 = tpu.memref_slice %arg3[%multiple_of3A_236] : memref<6400000xf32, #tpu.memory_space<hbm>> -> memref<6400xf32, #tpu.memory_space<hbm>>
        tpu.wait_dma2 semaphore(%dma_wait3A_255 : memref<!tpu.dma_semaphore, #tpu.memory_space<semaphore_mem>>) src(%dma_wait3A_256 : memref<6400xf32, #tpu.memory_space<hbm>>) dst(%arg16 : memref<6400xf32, #tpu.memory_space<vmem>>)
        %dma_start3A_257 = arith.constant 2 : i32
        %dma_start3A_258 = arith.constant 0 : i32
        %dma_start3A_259 = tpu.memref_slice %arg22[%dma_start3A_258] : memref<100000xf32, #tpu.memory_space<vmem_shared>> -> memref<100000xf32, #tpu.memory_space<vmem_shared>>
        %dma_start3A_260 = tpu.memref_slice %arg25[%dma_start3A_257] : memref<4x!tpu.dma_semaphore, #tpu.memory_space<semaphore_mem>> -> memref<1x!tpu.dma_semaphore, #tpu.memory_space<semaphore_mem>>
        %dma_start3A_261 = tpu.memref_squeeze %dma_start3A_260 : memref<1x!tpu.dma_semaphore, #tpu.memory_space<semaphore_mem>> -> memref<!tpu.dma_semaphore, #tpu.memory_space<semaphore_mem>>
        tpu.enqueue_indirect_dma source(%dma_start3A_259 : memref<100000xf32, #tpu.memory_space<vmem_shared>>) target(%arg20 : memref<6400xf32, #tpu.memory_space<vmem>>) offsets(%arg8 : memref<6400xi32, #tpu.memory_space<vmem>>) semaphore(%dma_start3A_261 : memref<!tpu.dma_semaphore, #tpu.memory_space<semaphore_mem>>)
      } else {
      }
      %sub3A_168 = arith.constant 32 : i32
      %sub3A_169 = arith.subi %add3A_162, %sub3A_168 : i32
      %ge3A_170 = arith.constant 1 : i32
      %ge3A_171 = arith.cmpi sge, %add3A_159, %ge3A_170 : i32
      %lt3A_172 = arith.constant 1000 : i32
      %lt3A_173 = arith.cmpi slt, %sub3A_169, %lt3A_172 : i32
      %and3A_174 = arith.andi %ge3A_171, %lt3A_173 : i1
      %convert_element_type3A_175 = arith.extui %and3A_174 : i1 to i32
      %cond3A_176 = arith.constant 0 : i32
      %cond3A_177 = arith.cmpi ne, %convert_element_type3A_175, %cond3A_176 : i32
      scf.if %cond3A_177 {
        %dma_wait3A = arith.constant 1 : i32
        %dma_wait3A_234 = arith.constant 0 : i32
        %dma_wait3A_235 = tpu.memref_slice %arg22[%dma_wait3A_234] : memref<100000xf32, #tpu.memory_space<vmem_shared>> -> memref<100000xf32, #tpu.memory_space<vmem_shared>>
        %dma_wait3A_236 = tpu.memref_slice %arg25[%dma_wait3A] : memref<4x!tpu.dma_semaphore, #tpu.memory_space<semaphore_mem>> -> memref<1x!tpu.dma_semaphore, #tpu.memory_space<semaphore_mem>>
        %dma_wait3A_237 = tpu.memref_squeeze %dma_wait3A_236 : memref<1x!tpu.dma_semaphore, #tpu.memory_space<semaphore_mem>> -> memref<!tpu.dma_semaphore, #tpu.memory_space<semaphore_mem>>
        tpu.wait_indirect_dma semaphore(%dma_wait3A_237 : memref<!tpu.dma_semaphore, #tpu.memory_space<semaphore_mem>>) src(%dma_wait3A_235 : memref<100000xf32, #tpu.memory_space<vmem_shared>>) dst(%arg19 : memref<6400xf32, #tpu.memory_space<vmem>>)
        %scan3A_238 = arith.constant 0 : i32
        %scan3A_239 = arith.constant 0 : i32
        %scan3A_240 = arith.constant 100 : i32
        %scan3A_241 = arith.addi %scan3A_239, %scan3A_240 : i32
        %scan3A_242 = arith.constant 1 : i32
        scf.for %scan3A_249 = %scan3A_239 to %scan3A_241 step %scan3A_242  : i32 {
          %mul3A_250 = arith.constant 64 : i32
          %mul3A_251 = arith.muli %scan3A_249, %mul3A_250 : i32
          %add3A_252 = arith.constant 0 : i32
          %add3A_253 = arith.addi %mul3A_251, %add3A_252 : i32
          %get3A = arith.index_cast %add3A_253 : i32 to index
          %get3A_254 = tpu.vector_load %arg19[%get3A] {strides = array<i32>} : memref<6400xf32, #tpu.memory_space<vmem>>, vector<16xf32>,
          %get3A_255 = arith.index_cast %add3A_253 : i32 to index
          %get3A_256 = tpu.vector_load %arg15[%get3A_255] {strides = array<i32>} : memref<6400xf32, #tpu.memory_space<vmem>>, vector<16xf32>,
          %mul3A_257 = arith.mulf %get3A_254, %get3A_256 : vector<16xf32>
          %swap3A = arith.index_cast %add3A_253 : i32 to index
          %swap3A_258 = tpu.vector_load %arg15[%swap3A] {strides = array<i32>} : memref<6400xf32, #tpu.memory_space<vmem>>, vector<16xf32>,
          tpu.vector_store %arg15[%swap3A], %mul3A_257 {strides = array<i32>} : memref<6400xf32, #tpu.memory_space<vmem>>, vector<16xf32>,
          %mul3A_259 = arith.constant 64 : i32
          %mul3A_260 = arith.muli %scan3A_249, %mul3A_259 : i32
          %add3A_261 = arith.constant 16 : i32
          %add3A_262 = arith.addi %mul3A_260, %add3A_261 : i32
          %get3A_263 = arith.index_cast %add3A_262 : i32 to index
          %get3A_264 = tpu.vector_load %arg19[%get3A_263] {strides = array<i32>} : memref<6400xf32, #tpu.memory_space<vmem>>, vector<16xf32>,
          %get3A_265 = arith.index_cast %add3A_262 : i32 to index
          %get3A_266 = tpu.vector_load %arg15[%get3A_265] {strides = array<i32>} : memref<6400xf32, #tpu.memory_space<vmem>>, vector<16xf32>,
          %mul3A_267 = arith.mulf %get3A_264, %get3A_266 : vector<16xf32>
          %swap3A_268 = arith.index_cast %add3A_262 : i32 to index
          %swap3A_269 = tpu.vector_load %arg15[%swap3A_268] {strides = array<i32>} : memref<6400xf32, #tpu.memory_space<vmem>>, vector<16xf32>,
          tpu.vector_store %arg15[%swap3A_268], %mul3A_267 {strides = array<i32>} : memref<6400xf32, #tpu.memory_space<vmem>>, vector<16xf32>,
          %mul3A_270 = arith.constant 64 : i32
          %mul3A_271 = arith.muli %scan3A_249, %mul3A_270 : i32
          %add3A_272 = arith.constant 32 : i32
          %add3A_273 = arith.addi %mul3A_271, %add3A_272 : i32
          %get3A_274 = arith.index_cast %add3A_273 : i32 to index
          %get3A_275 = tpu.vector_load %arg19[%get3A_274] {strides = array<i32>} : memref<6400xf32, #tpu.memory_space<vmem>>, vector<16xf32>,
          %get3A_276 = arith.index_cast %add3A_273 : i32 to index
          %get3A_277 = tpu.vector_load %arg15[%get3A_276] {strides = array<i32>} : memref<6400xf32, #tpu.memory_space<vmem>>, vector<16xf32>,
          %mul3A_278 = arith.mulf %get3A_275, %get3A_277 : vector<16xf32>
          %swap3A_279 = arith.index_cast %add3A_273 : i32 to index
          %swap3A_280 = tpu.vector_load %arg15[%swap3A_279] {strides = array<i32>} : memref<6400xf32, #tpu.memory_space<vmem>>, vector<16xf32>,
          tpu.vector_store %arg15[%swap3A_279], %mul3A_278 {strides = array<i32>} : memref<6400xf32, #tpu.memory_space<vmem>>, vector<16xf32>,
          %mul3A_281 = arith.constant 64 : i32
          %mul3A_282 = arith.muli %scan3A_249, %mul3A_281 : i32
          %add3A_283 = arith.constant 48 : i32
          %add3A_284 = arith.addi %mul3A_282, %add3A_283 : i32
          %get3A_285 = arith.index_cast %add3A_284 : i32 to index
          %get3A_286 = tpu.vector_load %arg19[%get3A_285] {strides = array<i32>} : memref<6400xf32, #tpu.memory_space<vmem>>, vector<16xf32>,
          %get3A_287 = arith.index_cast %add3A_284 : i32 to index
          %get3A_288 = tpu.vector_load %arg15[%get3A_287] {strides = array<i32>} : memref<6400xf32, #tpu.memory_space<vmem>>, vector<16xf32>,
          %mul3A_289 = arith.mulf %get3A_286, %get3A_288 : vector<16xf32>
          %swap3A_290 = arith.index_cast %add3A_284 : i32 to index
          %swap3A_291 = tpu.vector_load %arg15[%swap3A_290] {strides = array<i32>} : memref<6400xf32, #tpu.memory_space<vmem>>, vector<16xf32>,
          tpu.vector_store %arg15[%swap3A_290], %mul3A_289 {strides = array<i32>} : memref<6400xf32, #tpu.memory_space<vmem>>, vector<16xf32>,
        }
        %scan3A_243 = arith.constant 100 : i32
        %dma_start3A_244 = arith.constant 1 : i32
        %dma_start3A_245 = arith.constant 0 : i32
        %dma_start3A_246 = tpu.memref_slice %arg23[%dma_start3A_245] : memref<100352xf32, #tpu.memory_space<vmem_shared>> -> memref<100352xf32, #tpu.memory_space<vmem_shared>>
        %dma_start3A_247 = tpu.memref_slice %arg26[%dma_start3A_244] : memref<4x!tpu.dma_semaphore, #tpu.memory_space<semaphore_mem>> -> memref<1x!tpu.dma_semaphore, #tpu.memory_space<semaphore_mem>>
        %dma_start3A_248 = tpu.memref_squeeze %dma_start3A_247 : memref<1x!tpu.dma_semaphore, #tpu.memory_space<semaphore_mem>> -> memref<!tpu.dma_semaphore, #tpu.memory_space<semaphore_mem>>
        tpu.enqueue_indirect_dma source(%arg15 : memref<6400xf32, #tpu.memory_space<vmem>>) target(%dma_start3A_246 : memref<100352xf32, #tpu.memory_space<vmem_shared>>) offsets(%arg11 : memref<6400xi32, #tpu.memory_space<vmem>>) semaphore(%dma_start3A_248 : memref<!tpu.dma_semaphore, #tpu.memory_space<semaphore_mem>>) {add = true}
      } else {
      }
      %sub3A_178 = arith.constant 64 : i32
      %sub3A_179 = arith.subi %add3A_162, %sub3A_178 : i32
      %ge3A_180 = arith.constant 2 : i32
      %ge3A_181 = arith.cmpi sge, %add3A_159, %ge3A_180 : i32
      %lt3A_182 = arith.constant 1000 : i32
      %lt3A_183 = arith.cmpi slt, %sub3A_179, %lt3A_182 : i32
      %and3A_184 = arith.andi %ge3A_181, %lt3A_183 : i1
      %convert_element_type3A_185 = arith.extui %and3A_184 : i1 to i32
      %cond3A_186 = arith.constant 0 : i32
      %cond3A_187 = arith.cmpi ne, %convert_element_type3A_185, %cond3A_186 : i32
      scf.if %cond3A_187 {
        %dma_wait3A = arith.constant 0 : i32
        %dma_wait3A_234 = arith.constant 0 : i32
        %dma_wait3A_235 = tpu.memref_slice %arg23[%dma_wait3A_234] : memref<100352xf32, #tpu.memory_space<vmem_shared>> -> memref<100352xf32, #tpu.memory_space<vmem_shared>>
        %dma_wait3A_236 = tpu.memref_slice %arg26[%dma_wait3A] : memref<4x!tpu.dma_semaphore, #tpu.memory_space<semaphore_mem>> -> memref<1x!tpu.dma_semaphore, #tpu.memory_space<semaphore_mem>>
        %dma_wait3A_237 = tpu.memref_squeeze %dma_wait3A_236 : memref<1x!tpu.dma_semaphore, #tpu.memory_space<semaphore_mem>> -> memref<!tpu.dma_semaphore, #tpu.memory_space<semaphore_mem>>
        tpu.wait_indirect_dma semaphore(%dma_wait3A_237 : memref<!tpu.dma_semaphore, #tpu.memory_space<semaphore_mem>>) src(%arg14 : memref<6400xf32, #tpu.memory_space<vmem>>) dst(%dma_wait3A_235 : memref<100352xf32, #tpu.memory_space<vmem_shared>>)
      } else {
      }
      %add3A_188 = arith.constant 64 : i32
      %add3A_189 = arith.addi %add3A_162, %add3A_188 : i32
      %lt3A_190 = arith.constant 1000 : i32
      %lt3A_191 = arith.cmpi slt, %add3A_189, %lt3A_190 : i32
      %convert_element_type3A_192 = arith.extui %lt3A_191 : i1 to i32
      %cond3A_193 = arith.constant 0 : i32
      %cond3A_194 = arith.cmpi ne, %convert_element_type3A_192, %cond3A_193 : i32
      scf.if %cond3A_194 {
        %mul3A_234 = arith.constant 6400 : i32
        %mul3A_235 = arith.muli %add3A_189, %mul3A_234 : i32
        %multiple_of3A_236 = tpu.assume_multiple %mul3A_235, 8 : i32
        %dma_start3A_237 = arith.constant 0 : i32
        %dma_start3A_238 = arith.constant 0 : i32
        %dma_start3A_239 = tpu.memref_slice %arg2[%dma_start3A_237, %multiple_of3A_236] : memref<2x6400000xi32, #tpu.memory_space<hbm>> -> memref<1x6400xi32, #tpu.memory_space<hbm>>
        %dma_start3A_240 = tpu.memref_squeeze %dma_start3A_239 : memref<1x6400xi32, #tpu.memory_space<hbm>> -> memref<6400xi32, #tpu.memory_space<hbm>>
        %dma_start3A_241 = tpu.memref_slice %arg24[%dma_start3A_238] : memref<4x!tpu.dma_semaphore, #tpu.memory_space<semaphore_mem>> -> memref<1x!tpu.dma_semaphore, #tpu.memory_space<semaphore_mem>>
        %dma_start3A_242 = tpu.memref_squeeze %dma_start3A_241 : memref<1x!tpu.dma_semaphore, #tpu.memory_space<semaphore_mem>> -> memref<!tpu.dma_semaphore, #tpu.memory_space<semaphore_mem>>
        %dma_start3A_243 = tpu.memref_slice %arg2[%dma_start3A_237, %multiple_of3A_236] : memref<2x6400000xi32, #tpu.memory_space<hbm>> -> memref<1x6400xi32, #tpu.memory_space<hbm>>
        %dma_start3A_244 = tpu.memref_squeeze %dma_start3A_243 : memref<1x6400xi32, #tpu.memory_space<hbm>> -> memref<6400xi32, #tpu.memory_space<hbm>>
        tpu.enqueue_dma source(%dma_start3A_244 : memref<6400xi32, #tpu.memory_space<hbm>>) target(%arg6 : memref<6400xi32, #tpu.memory_space<vmem>>) target_semaphore(%dma_start3A_242 : memref<!tpu.dma_semaphore, #tpu.memory_space<semaphore_mem>>)
        %dma_start3A_245 = arith.constant 1 : i32
        %dma_start3A_246 = arith.constant 0 : i32
        %dma_start3A_247 = tpu.memref_slice %arg2[%dma_start3A_245, %multiple_of3A_236] : memref<2x6400000xi32, #tpu.memory_space<hbm>> -> memref<1x6400xi32, #tpu.memory_space<hbm>>
        %dma_start3A_248 = tpu.memref_squeeze %dma_start3A_247 : memref<1x6400xi32, #tpu.memory_space<hbm>> -> memref<6400xi32, #tpu.memory_space<hbm>>
        %dma_start3A_249 = tpu.memref_slice %arg24[%dma_start3A_246] : memref<4x!tpu.dma_semaphore, #tpu.memory_space<semaphore_mem>> -> memref<1x!tpu.dma_semaphore, #tpu.memory_space<semaphore_mem>>
        %dma_start3A_250 = tpu.memref_squeeze %dma_start3A_249 : memref<1x!tpu.dma_semaphore, #tpu.memory_space<semaphore_mem>> -> memref<!tpu.dma_semaphore, #tpu.memory_space<semaphore_mem>>
        %dma_start3A_251 = tpu.memref_slice %arg2[%dma_start3A_245, %multiple_of3A_236] : memref<2x6400000xi32, #tpu.memory_space<hbm>> -> memref<1x6400xi32, #tpu.memory_space<hbm>>
        %dma_start3A_252 = tpu.memref_squeeze %dma_start3A_251 : memref<1x6400xi32, #tpu.memory_space<hbm>> -> memref<6400xi32, #tpu.memory_space<hbm>>
        tpu.enqueue_dma source(%dma_start3A_252 : memref<6400xi32, #tpu.memory_space<hbm>>) target(%arg10 : memref<6400xi32, #tpu.memory_space<vmem>>) target_semaphore(%dma_start3A_250 : memref<!tpu.dma_semaphore, #tpu.memory_space<semaphore_mem>>)
        %dma_start3A_253 = arith.constant 0 : i32
        %dma_start3A_254 = tpu.memref_slice %arg3[%multiple_of3A_236] : memref<6400000xf32, #tpu.memory_space<hbm>> -> memref<6400xf32, #tpu.memory_space<hbm>>
        %dma_start3A_255 = tpu.memref_slice %arg24[%dma_start3A_253] : memref<4x!tpu.dma_semaphore, #tpu.memory_space<semaphore_mem>> -> memref<1x!tpu.dma_semaphore, #tpu.memory_space<semaphore_mem>>
        %dma_start3A_256 = tpu.memref_squeeze %dma_start3A_255 : memref<1x!tpu.dma_semaphore, #tpu.memory_space<semaphore_mem>> -> memref<!tpu.dma_semaphore, #tpu.memory_space<semaphore_mem>>
        %dma_start3A_257 = tpu.memref_slice %arg3[%multiple_of3A_236] : memref<6400000xf32, #tpu.memory_space<hbm>> -> memref<6400xf32, #tpu.memory_space<hbm>>
        tpu.enqueue_dma source(%dma_start3A_257 : memref<6400xf32, #tpu.memory_space<hbm>>) target(%arg14 : memref<6400xf32, #tpu.memory_space<vmem>>) target_semaphore(%dma_start3A_256 : memref<!tpu.dma_semaphore, #tpu.memory_space<semaphore_mem>>)
      } else {
      }
      %mul3A_195 = arith.constant 4 : i32
      %mul3A_196 = arith.muli %scan3A_79, %mul3A_195 : i32
      %add3A_197 = arith.constant 3 : i32
      %add3A_198 = arith.addi %mul3A_196, %add3A_197 : i32
      %mul3A_199 = arith.constant 32 : i32
      %mul3A_200 = arith.muli %add3A_198, %mul3A_199 : i32
      %add3A_201 = arith.addi %mul3A_200, %add3A : i32
      %lt3A_202 = arith.constant 1000 : i32
      %lt3A_203 = arith.cmpi slt, %add3A_201, %lt3A_202 : i32
      %convert_element_type3A_204 = arith.extui %lt3A_203 : i1 to i32
      %cond3A_205 = arith.constant 0 : i32
      %cond3A_206 = arith.cmpi ne, %convert_element_type3A_204, %cond3A_205 : i32
      scf.if %cond3A_206 {
        %mul3A_234 = arith.constant 6400 : i32
        %mul3A_235 = arith.muli %add3A_201, %mul3A_234 : i32
        %multiple_of3A_236 = tpu.assume_multiple %mul3A_235, 8 : i32
        %dma_wait3A = arith.constant 0 : i32
        %dma_wait3A_237 = arith.constant 3 : i32
        %dma_wait3A_238 = tpu.memref_slice %arg2[%dma_wait3A, %multiple_of3A_236] : memref<2x6400000xi32, #tpu.memory_space<hbm>> -> memref<1x6400xi32, #tpu.memory_space<hbm>>
        %dma_wait3A_239 = tpu.memref_squeeze %dma_wait3A_238 : memref<1x6400xi32, #tpu.memory_space<hbm>> -> memref<6400xi32, #tpu.memory_space<hbm>>
        %dma_wait3A_240 = tpu.memref_slice %arg24[%dma_wait3A_237] : memref<4x!tpu.dma_semaphore, #tpu.memory_space<semaphore_mem>> -> memref<1x!tpu.dma_semaphore, #tpu.memory_space<semaphore_mem>>
        %dma_wait3A_241 = tpu.memref_squeeze %dma_wait3A_240 : memref<1x!tpu.dma_semaphore, #tpu.memory_space<semaphore_mem>> -> memref<!tpu.dma_semaphore, #tpu.memory_space<semaphore_mem>>
        %dma_wait3A_242 = tpu.memref_slice %arg2[%dma_wait3A, %multiple_of3A_236] : memref<2x6400000xi32, #tpu.memory_space<hbm>> -> memref<1x6400xi32, #tpu.memory_space<hbm>>
        %dma_wait3A_243 = tpu.memref_squeeze %dma_wait3A_242 : memref<1x6400xi32, #tpu.memory_space<hbm>> -> memref<6400xi32, #tpu.memory_space<hbm>>
        tpu.wait_dma2 semaphore(%dma_wait3A_241 : memref<!tpu.dma_semaphore, #tpu.memory_space<semaphore_mem>>) src(%dma_wait3A_243 : memref<6400xi32, #tpu.memory_space<hbm>>) dst(%arg9 : memref<6400xi32, #tpu.memory_space<vmem>>)
        %dma_wait3A_244 = arith.constant 1 : i32
        %dma_wait3A_245 = arith.constant 3 : i32
        %dma_wait3A_246 = tpu.memref_slice %arg2[%dma_wait3A_244, %multiple_of3A_236] : memref<2x6400000xi32, #tpu.memory_space<hbm>> -> memref<1x6400xi32, #tpu.memory_space<hbm>>
        %dma_wait3A_247 = tpu.memref_squeeze %dma_wait3A_246 : memref<1x6400xi32, #tpu.memory_space<hbm>> -> memref<6400xi32, #tpu.memory_space<hbm>>
        %dma_wait3A_248 = tpu.memref_slice %arg24[%dma_wait3A_245] : memref<4x!tpu.dma_semaphore, #tpu.memory_space<semaphore_mem>> -> memref<1x!tpu.dma_semaphore, #tpu.memory_space<semaphore_mem>>
        %dma_wait3A_249 = tpu.memref_squeeze %dma_wait3A_248 : memref<1x!tpu.dma_semaphore, #tpu.memory_space<semaphore_mem>> -> memref<!tpu.dma_semaphore, #tpu.memory_space<semaphore_mem>>
        %dma_wait3A_250 = tpu.memref_slice %arg2[%dma_wait3A_244, %multiple_of3A_236] : memref<2x6400000xi32, #tpu.memory_space<hbm>> -> memref<1x6400xi32, #tpu.memory_space<hbm>>
        %dma_wait3A_251 = tpu.memref_squeeze %dma_wait3A_250 : memref<1x6400xi32, #tpu.memory_space<hbm>> -> memref<6400xi32, #tpu.memory_space<hbm>>
        tpu.wait_dma2 semaphore(%dma_wait3A_249 : memref<!tpu.dma_semaphore, #tpu.memory_space<semaphore_mem>>) src(%dma_wait3A_251 : memref<6400xi32, #tpu.memory_space<hbm>>) dst(%arg13 : memref<6400xi32, #tpu.memory_space<vmem>>)
        %dma_wait3A_252 = arith.constant 3 : i32
        %dma_wait3A_253 = tpu.memref_slice %arg3[%multiple_of3A_236] : memref<6400000xf32, #tpu.memory_space<hbm>> -> memref<6400xf32, #tpu.memory_space<hbm>>
        %dma_wait3A_254 = tpu.memref_slice %arg24[%dma_wait3A_252] : memref<4x!tpu.dma_semaphore, #tpu.memory_space<semaphore_mem>> -> memref<1x!tpu.dma_semaphore, #tpu.memory_space<semaphore_mem>>
        %dma_wait3A_255 = tpu.memref_squeeze %dma_wait3A_254 : memref<1x!tpu.dma_semaphore, #tpu.memory_space<semaphore_mem>> -> memref<!tpu.dma_semaphore, #tpu.memory_space<semaphore_mem>>
        %dma_wait3A_256 = tpu.memref_slice %arg3[%multiple_of3A_236] : memref<6400000xf32, #tpu.memory_space<hbm>> -> memref<6400xf32, #tpu.memory_space<hbm>>
        tpu.wait_dma2 semaphore(%dma_wait3A_255 : memref<!tpu.dma_semaphore, #tpu.memory_space<semaphore_mem>>) src(%dma_wait3A_256 : memref<6400xf32, #tpu.memory_space<hbm>>) dst(%arg17 : memref<6400xf32, #tpu.memory_space<vmem>>)
        %dma_start3A_257 = arith.constant 3 : i32
        %dma_start3A_258 = arith.constant 0 : i32
        %dma_start3A_259 = tpu.memref_slice %arg22[%dma_start3A_258] : memref<100000xf32, #tpu.memory_space<vmem_shared>> -> memref<100000xf32, #tpu.memory_space<vmem_shared>>
        %dma_start3A_260 = tpu.memref_slice %arg25[%dma_start3A_257] : memref<4x!tpu.dma_semaphore, #tpu.memory_space<semaphore_mem>> -> memref<1x!tpu.dma_semaphore, #tpu.memory_space<semaphore_mem>>
        %dma_start3A_261 = tpu.memref_squeeze %dma_start3A_260 : memref<1x!tpu.dma_semaphore, #tpu.memory_space<semaphore_mem>> -> memref<!tpu.dma_semaphore, #tpu.memory_space<semaphore_mem>>
        tpu.enqueue_indirect_dma source(%dma_start3A_259 : memref<100000xf32, #tpu.memory_space<vmem_shared>>) target(%arg21 : memref<6400xf32, #tpu.memory_space<vmem>>) offsets(%arg9 : memref<6400xi32, #tpu.memory_space<vmem>>) semaphore(%dma_start3A_261 : memref<!tpu.dma_semaphore, #tpu.memory_space<semaphore_mem>>)
      } else {
      }
      %sub3A_207 = arith.constant 32 : i32
      %sub3A_208 = arith.subi %add3A_201, %sub3A_207 : i32
      %ge3A_209 = arith.constant 1 : i32
      %ge3A_210 = arith.cmpi sge, %add3A_198, %ge3A_209 : i32
      %lt3A_211 = arith.constant 1000 : i32
      %lt3A_212 = arith.cmpi slt, %sub3A_208, %lt3A_211 : i32
      %and3A_213 = arith.andi %ge3A_210, %lt3A_212 : i1
      %convert_element_type3A_214 = arith.extui %and3A_213 : i1 to i32
      %cond3A_215 = arith.constant 0 : i32
      %cond3A_216 = arith.cmpi ne, %convert_element_type3A_214, %cond3A_215 : i32
      scf.if %cond3A_216 {
        %dma_wait3A = arith.constant 2 : i32
        %dma_wait3A_234 = arith.constant 0 : i32
        %dma_wait3A_235 = tpu.memref_slice %arg22[%dma_wait3A_234] : memref<100000xf32, #tpu.memory_space<vmem_shared>> -> memref<100000xf32, #tpu.memory_space<vmem_shared>>
        %dma_wait3A_236 = tpu.memref_slice %arg25[%dma_wait3A] : memref<4x!tpu.dma_semaphore, #tpu.memory_space<semaphore_mem>> -> memref<1x!tpu.dma_semaphore, #tpu.memory_space<semaphore_mem>>
        %dma_wait3A_237 = tpu.memref_squeeze %dma_wait3A_236 : memref<1x!tpu.dma_semaphore, #tpu.memory_space<semaphore_mem>> -> memref<!tpu.dma_semaphore, #tpu.memory_space<semaphore_mem>>
        tpu.wait_indirect_dma semaphore(%dma_wait3A_237 : memref<!tpu.dma_semaphore, #tpu.memory_space<semaphore_mem>>) src(%dma_wait3A_235 : memref<100000xf32, #tpu.memory_space<vmem_shared>>) dst(%arg20 : memref<6400xf32, #tpu.memory_space<vmem>>)
        %scan3A_238 = arith.constant 0 : i32
        %scan3A_239 = arith.constant 0 : i32
        %scan3A_240 = arith.constant 100 : i32
        %scan3A_241 = arith.addi %scan3A_239, %scan3A_240 : i32
        %scan3A_242 = arith.constant 1 : i32
        scf.for %scan3A_249 = %scan3A_239 to %scan3A_241 step %scan3A_242  : i32 {
          %mul3A_250 = arith.constant 64 : i32
          %mul3A_251 = arith.muli %scan3A_249, %mul3A_250 : i32
          %add3A_252 = arith.constant 0 : i32
          %add3A_253 = arith.addi %mul3A_251, %add3A_252 : i32
          %get3A = arith.index_cast %add3A_253 : i32 to index
          %get3A_254 = tpu.vector_load %arg20[%get3A] {strides = array<i32>} : memref<6400xf32, #tpu.memory_space<vmem>>, vector<16xf32>,
          %get3A_255 = arith.index_cast %add3A_253 : i32 to index
          %get3A_256 = tpu.vector_load %arg16[%get3A_255] {strides = array<i32>} : memref<6400xf32, #tpu.memory_space<vmem>>, vector<16xf32>,
          %mul3A_257 = arith.mulf %get3A_254, %get3A_256 : vector<16xf32>
          %swap3A = arith.index_cast %add3A_253 : i32 to index
          %swap3A_258 = tpu.vector_load %arg16[%swap3A] {strides = array<i32>} : memref<6400xf32, #tpu.memory_space<vmem>>, vector<16xf32>,
          tpu.vector_store %arg16[%swap3A], %mul3A_257 {strides = array<i32>} : memref<6400xf32, #tpu.memory_space<vmem>>, vector<16xf32>,
          %mul3A_259 = arith.constant 64 : i32
          %mul3A_260 = arith.muli %scan3A_249, %mul3A_259 : i32
          %add3A_261 = arith.constant 16 : i32
          %add3A_262 = arith.addi %mul3A_260, %add3A_261 : i32
          %get3A_263 = arith.index_cast %add3A_262 : i32 to index
          %get3A_264 = tpu.vector_load %arg20[%get3A_263] {strides = array<i32>} : memref<6400xf32, #tpu.memory_space<vmem>>, vector<16xf32>,
          %get3A_265 = arith.index_cast %add3A_262 : i32 to index
          %get3A_266 = tpu.vector_load %arg16[%get3A_265] {strides = array<i32>} : memref<6400xf32, #tpu.memory_space<vmem>>, vector<16xf32>,
          %mul3A_267 = arith.mulf %get3A_264, %get3A_266 : vector<16xf32>
          %swap3A_268 = arith.index_cast %add3A_262 : i32 to index
          %swap3A_269 = tpu.vector_load %arg16[%swap3A_268] {strides = array<i32>} : memref<6400xf32, #tpu.memory_space<vmem>>, vector<16xf32>,
          tpu.vector_store %arg16[%swap3A_268], %mul3A_267 {strides = array<i32>} : memref<6400xf32, #tpu.memory_space<vmem>>, vector<16xf32>,
          %mul3A_270 = arith.constant 64 : i32
          %mul3A_271 = arith.muli %scan3A_249, %mul3A_270 : i32
          %add3A_272 = arith.constant 32 : i32
          %add3A_273 = arith.addi %mul3A_271, %add3A_272 : i32
          %get3A_274 = arith.index_cast %add3A_273 : i32 to index
          %get3A_275 = tpu.vector_load %arg20[%get3A_274] {strides = array<i32>} : memref<6400xf32, #tpu.memory_space<vmem>>, vector<16xf32>,
          %get3A_276 = arith.index_cast %add3A_273 : i32 to index
          %get3A_277 = tpu.vector_load %arg16[%get3A_276] {strides = array<i32>} : memref<6400xf32, #tpu.memory_space<vmem>>, vector<16xf32>,
          %mul3A_278 = arith.mulf %get3A_275, %get3A_277 : vector<16xf32>
          %swap3A_279 = arith.index_cast %add3A_273 : i32 to index
          %swap3A_280 = tpu.vector_load %arg16[%swap3A_279] {strides = array<i32>} : memref<6400xf32, #tpu.memory_space<vmem>>, vector<16xf32>,
          tpu.vector_store %arg16[%swap3A_279], %mul3A_278 {strides = array<i32>} : memref<6400xf32, #tpu.memory_space<vmem>>, vector<16xf32>,
          %mul3A_281 = arith.constant 64 : i32
          %mul3A_282 = arith.muli %scan3A_249, %mul3A_281 : i32
          %add3A_283 = arith.constant 48 : i32
          %add3A_284 = arith.addi %mul3A_282, %add3A_283 : i32
          %get3A_285 = arith.index_cast %add3A_284 : i32 to index
          %get3A_286 = tpu.vector_load %arg20[%get3A_285] {strides = array<i32>} : memref<6400xf32, #tpu.memory_space<vmem>>, vector<16xf32>,
          %get3A_287 = arith.index_cast %add3A_284 : i32 to index
          %get3A_288 = tpu.vector_load %arg16[%get3A_287] {strides = array<i32>} : memref<6400xf32, #tpu.memory_space<vmem>>, vector<16xf32>,
          %mul3A_289 = arith.mulf %get3A_286, %get3A_288 : vector<16xf32>
          %swap3A_290 = arith.index_cast %add3A_284 : i32 to index
          %swap3A_291 = tpu.vector_load %arg16[%swap3A_290] {strides = array<i32>} : memref<6400xf32, #tpu.memory_space<vmem>>, vector<16xf32>,
          tpu.vector_store %arg16[%swap3A_290], %mul3A_289 {strides = array<i32>} : memref<6400xf32, #tpu.memory_space<vmem>>, vector<16xf32>,
        }
        %scan3A_243 = arith.constant 100 : i32
        %dma_start3A_244 = arith.constant 2 : i32
        %dma_start3A_245 = arith.constant 0 : i32
        %dma_start3A_246 = tpu.memref_slice %arg23[%dma_start3A_245] : memref<100352xf32, #tpu.memory_space<vmem_shared>> -> memref<100352xf32, #tpu.memory_space<vmem_shared>>
        %dma_start3A_247 = tpu.memref_slice %arg26[%dma_start3A_244] : memref<4x!tpu.dma_semaphore, #tpu.memory_space<semaphore_mem>> -> memref<1x!tpu.dma_semaphore, #tpu.memory_space<semaphore_mem>>
        %dma_start3A_248 = tpu.memref_squeeze %dma_start3A_247 : memref<1x!tpu.dma_semaphore, #tpu.memory_space<semaphore_mem>> -> memref<!tpu.dma_semaphore, #tpu.memory_space<semaphore_mem>>
        tpu.enqueue_indirect_dma source(%arg16 : memref<6400xf32, #tpu.memory_space<vmem>>) target(%dma_start3A_246 : memref<100352xf32, #tpu.memory_space<vmem_shared>>) offsets(%arg12 : memref<6400xi32, #tpu.memory_space<vmem>>) semaphore(%dma_start3A_248 : memref<!tpu.dma_semaphore, #tpu.memory_space<semaphore_mem>>) {add = true}
      } else {
      }
      %sub3A_217 = arith.constant 64 : i32
      %sub3A_218 = arith.subi %add3A_201, %sub3A_217 : i32
      %ge3A_219 = arith.constant 2 : i32
      %ge3A_220 = arith.cmpi sge, %add3A_198, %ge3A_219 : i32
      %lt3A_221 = arith.constant 1000 : i32
      %lt3A_222 = arith.cmpi slt, %sub3A_218, %lt3A_221 : i32
      %and3A_223 = arith.andi %ge3A_220, %lt3A_222 : i1
      %convert_element_type3A_224 = arith.extui %and3A_223 : i1 to i32
      %cond3A_225 = arith.constant 0 : i32
      %cond3A_226 = arith.cmpi ne, %convert_element_type3A_224, %cond3A_225 : i32
      scf.if %cond3A_226 {
        %dma_wait3A = arith.constant 1 : i32
        %dma_wait3A_234 = arith.constant 0 : i32
        %dma_wait3A_235 = tpu.memref_slice %arg23[%dma_wait3A_234] : memref<100352xf32, #tpu.memory_space<vmem_shared>> -> memref<100352xf32, #tpu.memory_space<vmem_shared>>
        %dma_wait3A_236 = tpu.memref_slice %arg26[%dma_wait3A] : memref<4x!tpu.dma_semaphore, #tpu.memory_space<semaphore_mem>> -> memref<1x!tpu.dma_semaphore, #tpu.memory_space<semaphore_mem>>
        %dma_wait3A_237 = tpu.memref_squeeze %dma_wait3A_236 : memref<1x!tpu.dma_semaphore, #tpu.memory_space<semaphore_mem>> -> memref<!tpu.dma_semaphore, #tpu.memory_space<semaphore_mem>>
        tpu.wait_indirect_dma semaphore(%dma_wait3A_237 : memref<!tpu.dma_semaphore, #tpu.memory_space<semaphore_mem>>) src(%arg15 : memref<6400xf32, #tpu.memory_space<vmem>>) dst(%dma_wait3A_235 : memref<100352xf32, #tpu.memory_space<vmem_shared>>)
      } else {
      }
      %add3A_227 = arith.constant 64 : i32
      %add3A_228 = arith.addi %add3A_201, %add3A_227 : i32
      %lt3A_229 = arith.constant 1000 : i32
      %lt3A_230 = arith.cmpi slt, %add3A_228, %lt3A_229 : i32
      %convert_element_type3A_231 = arith.extui %lt3A_230 : i1 to i32
      %cond3A_232 = arith.constant 0 : i32
      %cond3A_233 = arith.cmpi ne, %convert_element_type3A_231, %cond3A_232 : i32
      scf.if %cond3A_233 {
        %mul3A_234 = arith.constant 6400 : i32
        %mul3A_235 = arith.muli %add3A_228, %mul3A_234 : i32
        %multiple_of3A_236 = tpu.assume_multiple %mul3A_235, 8 : i32
        %dma_start3A_237 = arith.constant 0 : i32
        %dma_start3A_238 = arith.constant 1 : i32
        %dma_start3A_239 = tpu.memref_slice %arg2[%dma_start3A_237, %multiple_of3A_236] : memref<2x6400000xi32, #tpu.memory_space<hbm>> -> memref<1x6400xi32, #tpu.memory_space<hbm>>
        %dma_start3A_240 = tpu.memref_squeeze %dma_start3A_239 : memref<1x6400xi32, #tpu.memory_space<hbm>> -> memref<6400xi32, #tpu.memory_space<hbm>>
        %dma_start3A_241 = tpu.memref_slice %arg24[%dma_start3A_238] : memref<4x!tpu.dma_semaphore, #tpu.memory_space<semaphore_mem>> -> memref<1x!tpu.dma_semaphore, #tpu.memory_space<semaphore_mem>>
        %dma_start3A_242 = tpu.memref_squeeze %dma_start3A_241 : memref<1x!tpu.dma_semaphore, #tpu.memory_space<semaphore_mem>> -> memref<!tpu.dma_semaphore, #tpu.memory_space<semaphore_mem>>
        %dma_start3A_243 = tpu.memref_slice %arg2[%dma_start3A_237, %multiple_of3A_236] : memref<2x6400000xi32, #tpu.memory_space<hbm>> -> memref<1x6400xi32, #tpu.memory_space<hbm>>
        %dma_start3A_244 = tpu.memref_squeeze %dma_start3A_243 : memref<1x6400xi32, #tpu.memory_space<hbm>> -> memref<6400xi32, #tpu.memory_space<hbm>>
        tpu.enqueue_dma source(%dma_start3A_244 : memref<6400xi32, #tpu.memory_space<hbm>>) target(%arg7 : memref<6400xi32, #tpu.memory_space<vmem>>) target_semaphore(%dma_start3A_242 : memref<!tpu.dma_semaphore, #tpu.memory_space<semaphore_mem>>)
        %dma_start3A_245 = arith.constant 1 : i32
        %dma_start3A_246 = arith.constant 1 : i32
        %dma_start3A_247 = tpu.memref_slice %arg2[%dma_start3A_245, %multiple_of3A_236] : memref<2x6400000xi32, #tpu.memory_space<hbm>> -> memref<1x6400xi32, #tpu.memory_space<hbm>>
        %dma_start3A_248 = tpu.memref_squeeze %dma_start3A_247 : memref<1x6400xi32, #tpu.memory_space<hbm>> -> memref<6400xi32, #tpu.memory_space<hbm>>
        %dma_start3A_249 = tpu.memref_slice %arg24[%dma_start3A_246] : memref<4x!tpu.dma_semaphore, #tpu.memory_space<semaphore_mem>> -> memref<1x!tpu.dma_semaphore, #tpu.memory_space<semaphore_mem>>
        %dma_start3A_250 = tpu.memref_squeeze %dma_start3A_249 : memref<1x!tpu.dma_semaphore, #tpu.memory_space<semaphore_mem>> -> memref<!tpu.dma_semaphore, #tpu.memory_space<semaphore_mem>>
        %dma_start3A_251 = tpu.memref_slice %arg2[%dma_start3A_245, %multiple_of3A_236] : memref<2x6400000xi32, #tpu.memory_space<hbm>> -> memref<1x6400xi32, #tpu.memory_space<hbm>>
        %dma_start3A_252 = tpu.memref_squeeze %dma_start3A_251 : memref<1x6400xi32, #tpu.memory_space<hbm>> -> memref<6400xi32, #tpu.memory_space<hbm>>
        tpu.enqueue_dma source(%dma_start3A_252 : memref<6400xi32, #tpu.memory_space<hbm>>) target(%arg11 : memref<6400xi32, #tpu.memory_space<vmem>>) target_semaphore(%dma_start3A_250 : memref<!tpu.dma_semaphore, #tpu.memory_space<semaphore_mem>>)
        %dma_start3A_253 = arith.constant 1 : i32
        %dma_start3A_254 = tpu.memref_slice %arg3[%multiple_of3A_236] : memref<6400000xf32, #tpu.memory_space<hbm>> -> memref<6400xf32, #tpu.memory_space<hbm>>
        %dma_start3A_255 = tpu.memref_slice %arg24[%dma_start3A_253] : memref<4x!tpu.dma_semaphore, #tpu.memory_space<semaphore_mem>> -> memref<1x!tpu.dma_semaphore, #tpu.memory_space<semaphore_mem>>
        %dma_start3A_256 = tpu.memref_squeeze %dma_start3A_255 : memref<1x!tpu.dma_semaphore, #tpu.memory_space<semaphore_mem>> -> memref<!tpu.dma_semaphore, #tpu.memory_space<semaphore_mem>>
        %dma_start3A_257 = tpu.memref_slice %arg3[%multiple_of3A_236] : memref<6400000xf32, #tpu.memory_space<hbm>> -> memref<6400xf32, #tpu.memory_space<hbm>>
        tpu.enqueue_dma source(%dma_start3A_257 : memref<6400xf32, #tpu.memory_space<hbm>>) target(%arg15 : memref<6400xf32, #tpu.memory_space<vmem>>) target_semaphore(%dma_start3A_256 : memref<!tpu.dma_semaphore, #tpu.memory_space<semaphore_mem>>)
      } else {
      }
    }
    %scan3A_73 = arith.constant 9 : i32
    %barrier3A_74 = arith.constant 0 : index
    tpu.barrier barrier_id(%barrier3A_74)
    %mul3A_75 = arith.constant 6272 : i32
    %mul3A_76 = arith.muli %arg1, %mul3A_75 : i32
    %mul3A_77 = arith.constant 6272 : i32
    %mul3A_78 = arith.muli %arg1, %mul3A_77 : i32
    "tpu.region"() ({
      %run_scoped3A = tpu.sem_alloc : memref<!tpu.dma_semaphore, #tpu.memory_space<semaphore_mem>>
      %dma_start3A_79 = tpu.memref_slice %arg5[%arg0, %mul3A_78] : memref<2x100352xf32, #tpu.memory_space<hbm>> -> memref<1x6272xf32, #tpu.memory_space<hbm>>
      %dma_start3A_80 = tpu.memref_squeeze %dma_start3A_79 : memref<1x6272xf32, #tpu.memory_space<hbm>> -> memref<6272xf32, #tpu.memory_space<hbm>>
      %dma_start3A_81 = tpu.memref_slice %arg23[%mul3A_76] : memref<100352xf32, #tpu.memory_space<vmem_shared>> -> memref<6272xf32, #tpu.memory_space<vmem_shared>>
      tpu.enqueue_dma source(%dma_start3A_81 : memref<6272xf32, #tpu.memory_space<vmem_shared>>) target(%dma_start3A_80 : memref<6272xf32, #tpu.memory_space<hbm>>) target_semaphore(%run_scoped3A : memref<!tpu.dma_semaphore, #tpu.memory_space<semaphore_mem>>)
      %dma_wait3A = tpu.memref_slice %arg5[%arg0, %mul3A_78] : memref<2x100352xf32, #tpu.memory_space<hbm>> -> memref<1x6272xf32, #tpu.memory_space<hbm>>
      %dma_wait3A_82 = tpu.memref_squeeze %dma_wait3A : memref<1x6272xf32, #tpu.memory_space<hbm>> -> memref<6272xf32, #tpu.memory_space<hbm>>
      %dma_wait3A_83 = tpu.memref_slice %arg23[%mul3A_76] : memref<100352xf32, #tpu.memory_space<vmem_shared>> -> memref<6272xf32, #tpu.memory_space<vmem_shared>>
      tpu.wait_dma2 semaphore(%run_scoped3A : memref<!tpu.dma_semaphore, #tpu.memory_space<semaphore_mem>>) src(%dma_wait3A_83 : memref<6272xf32, #tpu.memory_space<vmem_shared>>) dst(%dma_wait3A_82 : memref<6272xf32, #tpu.memory_space<hbm>>)
      tpu.yield
    }) : () -> ()
    return
  }
}

module attributes {stable_mosaic.version = 14 : i64} {
  func.func @_combine_body(%arg0: memref<2x100352xf32, #tpu.memory_space<vmem>>, %arg1: memref<100000xf32, #tpu.memory_space<vmem>>) attributes {dimension_semantics = [], scalar_prefetch = 0 : i64, scratch_operands = 0 : i64, tpu.core_type = #tpu.core_type<tc>} {
    %get3A = arith.constant 0 : index
    %get3A_0 = arith.constant 0 : index
    %get3A_1 = vector.load %arg0[%get3A, %get3A_0] : memref<2x100352xf32, #tpu.memory_space<vmem>>, vector<1x100352xf32>
    %get3A_2 = vector.shape_cast %get3A_1 : vector<1x100352xf32> to vector<100352xf32>
    %get3A_3 = arith.constant 1 : index
    %get3A_4 = arith.constant 0 : index
    %get3A_5 = vector.load %arg0[%get3A_3, %get3A_4] : memref<2x100352xf32, #tpu.memory_space<vmem>>, vector<1x100352xf32>
    %get3A_6 = vector.shape_cast %get3A_5 : vector<1x100352xf32> to vector<100352xf32>
    %add3A = arith.addf %get3A_2, %get3A_6 : vector<100352xf32>
    %logistic3A = arith.negf %add3A : vector<100352xf32>
    %logistic3A_7 = math.exp %logistic3A : vector<100352xf32>
    %logistic3A_8 = arith.constant 1.000000e+00 : f32
    %logistic3A_9 = vector.broadcast %logistic3A_8 : f32 to vector<100352xf32>
    %logistic3A_10 = arith.addf %logistic3A_9, %logistic3A_7 : vector<100352xf32>
    %logistic3A_11 = arith.divf %logistic3A_9, %logistic3A_10 : vector<100352xf32>
    %slice3A = vector.extract_strided_slice %logistic3A_11 {offsets = [0], sizes = [100000], strides = [1]} : vector<100352xf32> to vector<100000xf32>
    %swap3A = arith.constant 0 : index
    %swap3A_12 = vector.load %arg1[%swap3A] : memref<100000xf32, #tpu.memory_space<vmem>>, vector<100000xf32>
    tpu.vector_store %arg1[%swap3A], %slice3A {strides = array<i32>} : memref<100000xf32, #tpu.memory_space<vmem>>, vector<100000xf32>,
    return
  }
}

</mosaic_0001>

<sc_bundles>
// kernel: kernel.4.cloned.1.call-start
scs
__scs_entry_jumppad:
0x0: {  	(pc) =	sbr.rel $0x88, $3  }
0x1: {  	(tag) =	ssettag $0x0;
	lr =	simm.s32 $0x1  }
0x2: {  	[smem:$0x3F9E] =	sst lr;
	_ =	strace $0xD0000000  }
0x3: {  	_ = 	snop  }
0x4: {  	_ = 	snop  }
0x5: {  	_ = 	snop  }
0x6: {  	_ = 	snop  }
0x7: {  	_ = 	snop  }
__scs_overlays_trampoline_lowered:
0x8: {  	[smem:$0x3FAD] =	sst s0  }
0x9: {  	[smem:$0x3FAE] =	sst s1  }
0xa: {  	[smem:$0x3FAF] =	sst s2  }
0xb: {  	[smem:$0x3FB0] =	sst s3  }
0xc: {  	[smem:$0x3FB1] =	sst s4  }
0xd: {  	[smem:$0x3FB2] =	sst s5  }
0xe: {  	[smem:$0x3FB3] =	sst s6  }
0xf: {  	[smem:$0x3FB4] =	sst s7  }
0x10: {  	[smem:$0x3FB5] =	sst s8  }
0x11: {  	[smem:$0x3FB6] =	sst s9;
	s0 =	simm.s32 @!p0 $0x0  }
0x12: {  	s1 =	sld [smem:$0x3F9C];
	s0 =	simm.s32 @p0 $0x1  }
0x13: {  	[smem:$0x3FB7] =	sst s0;
	s0 =	simm.s32 @!p1 $0x0  }
0x14: {  	s2 =	sld [smem:$0x3F9B];
	s0 =	simm.s32 @p1 $0x1  }
0x15: {  	[smem:$0x3FB8] =	sst s0;
	s0 =	simm.s32 @!p2 $0x0  }
0x16: {  	s3 =	sld [smem:$0x3FDB];
	s0 =	simm.s32 @p2 $0x1  }
0x17: {  	s4 =	simm.s32 $0x1BF5;
	[smem:$0x3FBA] =	sst s0  }
0x18: {  	s0 =	sld [smem:$0x3F9D];
	_ =	swait.ge [sflag:s4], $0x0  }
0x19: {  	s7 =	sld [smem:$0x3F9E]  }
0x1a: {  	s8 =	sadd.s32 $0xFFFFE003, lr  }
0x1b: {  	s9 =	sadd.s32 $0xFFFFFEF7, lr;
	s5 =	simm.s32 $0xFFFFFFFF;
	p2 =	slt.u32 s8, $0xFFFFF086  }
0x1c: {  	p1 =	slt.u32 s9, $0xF7A;
	s5 =	simm.s32 @!p2 $0x0  }
0x1d: {  	s5 =	simm.s32 @p1 $0x1;
	p0 =	seq.s32 s7, s2  }
0x1e: {  	s7 =	smul.u32 @!p0 $0xF7A, s2;
	p2 =	seq.s32 @!p0 s5, $0x0  }
0x1f: {  	s9 =	smul.u32 $0xF7A, s1;
	s8 =	simm.s32 @!p0 $0x1BF5;
	p2 =	por !p2, p0  }
0x20: {  	[sflag:s8] =	ssyncset.s32 @!p0 $0xFFFFF086;
	s6 =	sadd.s32 @!p0 s3, s7;
	s7 =	simm.s32 @!p0 $0x108  }
0x21: {  	s3 =	sadd.s32 s3, s9;
	s6 =	sadd.s32 @!p0 $0x88, s6;
	s7 =	simm.s32 @p2 $0x1082  }
0x22: {  	[simem:s7], [sflag:s8] =	dma.local @!p0 [hbm:s6], $0xF7A  }
0x23: {  	s9 =	sor.u32 $0xD0000000, s2;
	s6 =	simm.s32 $0x108;
	_ =	swait.ge @!p0 [sflag:s8], $0x0  }
0x24: {  	s3 =	sadd.s32 $0x88, s3;
	s6 =	simm.s32 @!p1 $0x1082;
	[sflag:s4] =	ssyncset.s32 $0xFFFFF086  }
0x25: {  	[simem:s6], [sflag:s4] =	dma.local [hbm:s3], $0xF7A  }
0x26: {  	[smem:$0x3F9E] =	sst s1;
	(tag) =	ssettag s2;
	_ =	strace s9  }
0x27: {  	s1 =	sld [smem:$0x3FAE]  }
0x28: {  	s2 =	sld [smem:$0x3FAF]  }
0x29: {  	s4 =	sld [smem:$0x3FB1]  }
0x2a: {  	p0 =	seq.s32 s5, $0x0;
	s5 =	sld [smem:$0x3FB2]  }
0x2b: {  	s6 =	sld [smem:$0x3FB3]  }
0x2c: {  	s7 =	sld [smem:$0x3FB4]  }
0x2d: {  	s3 =	simm.s32 $0x108;
	s8 =	sld [smem:$0x3FB5]  }
0x2e: {  	s3 =	simm.s32 @!p0 $0x1082;
	s9 =	sld [smem:$0x3FB6]  }
0x2f: {  	lr =	sadd.s32 s0, s3;
	s0 =	sld [smem:$0x3FAD]  }
0x30: {  	s3 =	sld [smem:$0x3FB0]  }
0x31: {  	[smem:$0x3FB9] =	sst s10  }
0x32: {  	s10 =	sld [smem:$0x3FB7];
	_ =	sdelay $0x3  }
0x33: {  	p0 =	seq.s32 s10, $0x1;
	s10 =	sld [smem:$0x3FB9];
	_ =	sdelay $0x3  }
0x34: {  	[smem:$0x3FB9] =	sst s10  }
0x35: {  	s10 =	sld [smem:$0x3FB8];
	_ =	sdelay $0x3  }
0x36: {  	p1 =	seq.s32 s10, $0x1;
	s10 =	sld [smem:$0x3FB9];
	_ =	sdelay $0x3  }
0x37: {  	[smem:$0x3FB9] =	sst s10  }
0x38: {  	s10 =	sld [smem:$0x3FBA]  }
0x39: {  	_ = 	snop;
	(pc) =	sbr.ind lr, $3  }
0x3a: {  	_ = 	snop  }
0x3b: {  	_ = 	snop  }
0x3c: {  	p2 =	seq.s32 s10, $0x1;
	s10 =	sld [smem:$0x3FB9]  }
0x3d: {  	_ =	shalt  }
0x3e: {  	_ =	shalt  }
0x3f: {  	_ =	shalt  }
0x40: {  	_ =	shalt  }
0x41: {  	_ =	shalt  }
0x42: {  	_ =	shalt  }
0x43: {  	_ =	shalt  }
0x44: {  	_ =	shalt  }
0x45: {  	_ =	shalt  }
0x46: {  	_ =	shalt  }
0x47: {  	_ =	shalt  }
0x48: {  	_ =	shalt  }
0x49: {  	_ =	shalt  }
0x4a: {  	_ =	shalt  }
0x4b: {  	_ =	shalt  }
0x4c: {  	_ =	shalt  }
0x4d: {  	_ =	shalt  }
0x4e: {  	_ =	shalt  }
0x4f: {  	_ =	shalt  }
0x50: {  	_ =	shalt  }
0x51: {  	_ =	shalt  }
0x52: {  	_ =	shalt  }
0x53: {  	_ =	shalt  }
0x54: {  	_ =	shalt  }
0x55: {  	_ =	shalt  }
0x56: {  	_ =	shalt  }
0x57: {  	_ =	shalt  }
0x58: {  	_ =	shalt  }
0x59: {  	_ =	shalt  }
0x5a: {  	_ =	shalt  }
0x5b: {  	_ =	shalt  }
0x5c: {  	_ =	shalt  }
0x5d: {  	_ =	shalt  }
0x5e: {  	_ =	shalt  }
0x5f: {  	_ =	shalt  }
0x60: {  	_ =	shalt  }
0x61: {  	_ =	shalt  }
0x62: {  	_ =	shalt  }
0x63: {  	_ =	shalt  }
0x64: {  	_ =	shalt  }
0x65: {  	_ =	shalt  }
0x66: {  	_ =	shalt  }
0x67: {  	_ =	shalt  }
0x68: {  	_ =	shalt  }
0x69: {  	_ =	shalt  }
0x6a: {  	_ =	shalt  }
0x6b: {  	_ =	shalt  }
0x6c: {  	_ =	shalt  }
0x6d: {  	_ =	shalt  }
0x6e: {  	_ =	shalt  }
0x6f: {  	_ =	shalt  }
0x70: {  	_ =	shalt  }
0x71: {  	_ =	shalt  }
0x72: {  	_ =	shalt  }
0x73: {  	_ =	shalt  }
0x74: {  	_ =	shalt  }
0x75: {  	_ =	shalt  }
0x76: {  	_ =	shalt  }
0x77: {  	_ =	shalt  }
0x78: {  	_ =	shalt  }
0x79: {  	_ =	shalt  }
0x7a: {  	_ =	shalt  }
0x7b: {  	_ =	shalt  }
0x7c: {  	_ =	shalt  }
0x7d: {  	_ =	shalt  }
0x7e: {  	_ =	shalt  }
0x7f: {  	_ =	shalt  }
0x80: {  	_ =	shalt  }
0x81: {  	_ =	shalt  }
0x82: {  	_ =	shalt  }
0x83: {  	_ =	shalt  }
0x84: {  	_ =	shalt  }
0x85: {  	_ =	shalt  }
0x86: {  	_ =	shalt  }
0x87: {  	_ =	shalt  }
.Lfunc_end0:
.L_simem_size_0:
called_computation_lowered:
.L_overlay_start_0:
0x88: {  	s2 =	sld [smem:$0x3FD9]  }
0x89: {  	s3 =	sld [smem:$0x3FFE];
	_ =	sdelay $0x1  }
0x8a: {  	s1 =	srdreg.scid  }
0x8b: {  	s0 =	sand.u32 $0x1, s1  }
0x8c: {  	s17 =	sshll.u32 s0, $0xA;
	s2 =	sadd.s32 s3, s2  }
0x8d: {  	s2 =	sadd.s32 s2, s17  }
0x8e: {  	[smem:$0x3FC5] =	sst s2  }
0x8f: {  	_ = 	snop  }
0x90: {  	s2 =	sld [smem:$0x3FC9]  }
0x91: {  	s18 =	sld [smem:$0x3FC8]  }
0x92: {  	s4 =	sld [smem:$0x3FC7];
	(tm) =	ssettm $0x1  }
0x93: {  	s5 =	sld [smem:$0x3FFB];
	_ =	sdelay $0x3  }
0x94: {  	_ =	strace s5  }
0x95: {  	s5 =	sld [smem:$0x3FFC];
	_ =	sdelay $0x3  }
0x96: {  	_ =	strace s5  }
0x97: {  	s5 =	sld [smem:$0x3FFD];
	_ =	sdelay $0x3  }
0x98: {  	_ =	strace s5  }
0x99: {  	_ =	strace $0x8FFFFFFF  }
0x9a: {  	s19 =	sld [smem:$0x3FDB];
	_ =	sdelay $0x1  }
0x9b: {  	s6 =	simm.s32 $_scs_section_size  }
0x9c: {  	s7 =	simm.s32 $_size__tile_overlayer_lowered;
	s8 =	simm.s32 $_tile_overlayer_lowered  }
0x9d: {  	s22 =	simm.s32 $0x1BFF;
	s21 =	sshll.u32 s8, $0x1;
	s5 =	sadd.s32 s6, s19  }
0x9e: {  	s9 =	simm.s32 $0x0;
	s20 =	sshll.u32 s7, $0x1;
	s7 =	sadd.s32 s21, s5  }
0x9f: {  	[timem:s9], [sflag:s22] =	dma.local [hbm:s7], s20  }
0xa0: {  	_ =	swait.ge [sflag:s22], s20  }
0xa1: {  	s6 =	ssub.s32 $0x0, s20;
	[sflag:s22] =	ssyncset.done $0x0  }
0xa2: {  	[sflag:s22] =	ssyncadd.s32 s6;
	_ =	sdelay $0x1  }
0xa3: {  	s23 =	simm.s32 $0x1B8B  }
0xa4: {  	_ =	swait.ge [sflag:s23], $0x1  }
0xa5: {  	[sflag:s23] =	ssyncset.done $0x0  }
0xa6: {  	s25 =	simm.s32 $0x1B8E;
	s24 =	sld [smem:$0x3FFE];
	[sflag:s23] =	ssyncadd.s32 $0xFFFFFFFF  }
0xa7: {  	s26 =	simm.s32 $execute0_lowered;
	[smem:$0x3FD2] =	sst s25  }
0xa8: {  	s7 =	sshll.u32 s26, $0x1;
	_ =	strace $0x80000046;
	[dreg:$0x1] =	wrdreg $0xFFFFFFFF  }
0xa9: {  	s28 =	simm.s32 $_size_execute0_lowered;
	s5 =	sadd.s32 s5, s7;
	[dreg:$0x0] =	wrdreg $0x0  }
0xaa: {  	s7 =	sshll.u32 s28, $0x1;
	[dreg:$0x2] =	wrdreg s5  }
0xab: {  	[dreg:$0x3] =	wrdreg s7  }
0xac: {  	[dreg:$0x4] =	wrdreg $0xC0  }
0xad: {  	_ =	task [dreg:s9], $0x5FFFF  }
0xae: {  	[dreg:$0x1] =	wrdreg $0xFFFFFFFF  }
0xaf: {  	[dreg:$0x0] =	wrdreg $0x60  }
0xb0: {  	[dreg:$0x2] =	wrdreg s18  }
0xb1: {  	[dreg:$0x3] =	wrdreg s4  }
0xb2: {  	[dreg:$0x4] =	wrdreg s2  }
0xb3: {  	[dreg:$0x5] =	wrdreg s24  }
0xb4: {  	[dreg:$0x6] =	wrdreg $0x190000  }
0xb5: {  	[dreg:$0x7] =	wrdreg $0x1A8700  }
0xb6: {  	[dreg:$0x8] =	wrdreg $0x9  }
0xb7: {  	_ =	task.clear_ibuf [dreg:s9], $0x9FFFF;
	_ =	strace $0x90000046  }
0xb8: {  	s29 =	simm.s32 $0x9;
	_ =	strace $0x80000048  }
0xb9: {  	_ =	swait.ge [sflag:s29], $0x1  }
0xba: {  	[sflag:s29] =	ssyncadd.s32 $0xFFFFFFFF  }
0xbb: {  	_ =	strace $0x90000048  }
0xbc: {  	_ =	sfence  }
0xbd: {  	s30 =	sld [smem:$0x0];
	_ =	sdelay $0x2  }
0xbe: {  	s31 =	sshll.u32 s1, $0xD;
	s1 =	sshrl.u32 s1, $0x2  }
0xbf: {  	s3 =	sand.u32 $0x4000, s31;
	s1 =	sadd.s32 s1, s30  }
0xc0: {  	s0 =	sor.u32 s3, s0;
	s1 =	sshll.u32 s1, $0x11  }
0xc1: {  	s0 =	sor.u32 s1, s0  }
0xc2: {  	s0 =	sadd.s32 $0x8F2B, s0  }
0xc3: {  	[sflag:s0] =	ssyncadd.remote.s32 $0x1  }
0xc4: {  	_ =	sfence.sel $0xFFFF  }
0xc5: {  	[dreg:$0x0] =	wrdreg $0xFFFFFFFF;
	(pc) =	sbr.abs _section_cstart, $3  }
0xc6: {  	[dreg:$0x1] =	wrdreg $0xFFFFFFFF  }
0xc7: {  	_ =	task.clear_ibuf [dreg:s9], $0x2FFFF;
	_ =	strace $0x9FFFFFFF  }
0xc8: {  	(tm) =	ssettm $0x7FFFFFFF  }
0xc9: {  	_ =	shalt  }
tec
execute0_lowered:
.L_overlay_start_1:
0x0: {  	(tag) =	ssettag $0x1  }
0x1: {  	s1 =	rddreg [dreg:$0x0]  }
0x2: {  	s2 =	rddreg [dreg:$0x1]  }
0x3: {  	s0 =	rddreg [dreg:$0x2]  }
0x4: {  	s3 =	rddreg [dreg:$0x3]  }
0x5: {  	s4 =	rddreg [dreg:$0x4]  }
0x6: {  	s5 =	rddreg [dreg:$0x5];
	s7 =	srdreg.scid  }
0x7: {  	s12 =	stileid.u32;
	s6 =	simm.s32 $0x0;
	s28 =	simm.s32 $0xC800  }
0x8: {  	s29 =	simm.s32 $0x1900;
	s7 =	sand.u32 $0x1, s7;
	s8 =	smul.u32 $0x3100, s12  }
0x9: {  	[smem:$0x7FF] =	sst s6;
	s11 =	smul.u32 $0x1870, s12;
	s13 =	sshll.u32 s12, $0x1  }
0xa: {  	s15 =	smul.u32 $0x6200, s12;
	s20 =	sadd.s32 $0x16E90, s4;
	p0 =	seq.s32 s12, $0xF  }
0xb: {  	s12 =	simm.s32 $0xA;
	s9 =	sshll.u32 s7, $0x7;
	_ =	strace $0x80000047  }
0xc: {  	s30 =	ssub.s32 $0x2, s7;
	s7 =	sor.u32 s7, s13;
	[dreg:$0xa] =	wrdreg s20  }
0xd: {  	s13 =	simm.s32 $0x6;
	s20 =	simm.s32 $0x0;
	s8 =	sor.u32 s9, s8  }
0xe: {  	s10 =	sshrl.u32 s30, $0x1;
	s14 =	sshrl.u32 s11, $0x3;
	s17 =	smul.u32 $0x640, s7  }
0xf: {  	s16 =	sadd.s32 s11, s4;
	s18 =	sshrl.u32 s15, $0x2;
	s19 =	smul.u32 $0x1900, s7  }
0x10: {  	s21 =	smul.u32 $0x320, s7;
	s11 =	simm.s32 $0x5;
	s15 =	simm.s32 $0x9  }
0x11: {  	s8 =	sshrl.u32 s8, $0x3;
	s31 =	ssub.s32 s30, s10;
	s9 =	sadd.s32 s0, s14  }
0x12: {  	[dreg:$0x8] =	wrdreg s16;
	s0 =	sadd.s32 $0x2DD2, s0;
	s22 =	sadd.s32 s18, s5  }
0x13: {  	s14 =	sadd.s32 $0x10, s1;
	s16 =	simm.s32 $0x4;
	[dreg:$0x7] =	wrdreg s9  }
0x14: {  	s18 =	simm.s32 $0x17700;
	s3 =	sadd.s32 s8, s3;
	[dreg:$0x9] =	wrdreg s0  }
0x15: {  	s23 =	sadd.s32 s1, s17;
	s10 =	sadd.s32 $0x32000, s19;
	[dreg:$0xb] =	wrdreg s22  }
0x16: {  	s9 =	sadd.s32 s17, s14;
	s0 =	sadd.s32 s2, s21;
	[dreg:$0xc] =	wrdreg s23  }
0x17: {  	s31 =	smax.u32 s31, $0x1;
	s8 =	simm.s32 $0xB;
	[dreg:$0xd] =	wrdreg s9  }
0x18: {  	s17 =	simm.s32 $0x4B00;
	s19 =	simm.s32 $0x7;
	[dreg:$0xe] =	wrdreg s0  }
0x19: {  	s24 =	sshrl.u32 s10, $0x2;
	s26 =	sshrl.u32 s10, $0x3;
	s30 =	sadd.s32 $0x600, s3  }
.Ltmp0:
0x1a: {  	[dreg:$0x13] =	wrdreg s31;
	s10 =	simm.s32 $0xD;
	(pc) =	sbr.rel .LBB2_1-.Ltmp0, $4  }
0x1b: {  	s9 =	simm.s32 $0x2;
	s25 =	sadd.s32 s1, s24;
	[dreg:$0x12] =	wrdreg s30  }
0x1c: {  	s0 =	sadd.s32 s24, s14;
	s24 =	simm.s32 $0x80;
	[dreg:$0xf] =	wrdreg s25  }
0x1d: {  	[dreg:$0x10] =	wrdreg s0;
	s0 =	sadd.s32 s2, s26;
	s25 =	simm.s32 $0x100  }
0x1e: {  	v0 =	vimm.f32 $0.0e+00;
	s26 =	simm.s32 $0x6400;
	[dreg:$0x11] =	wrdreg s0;
	s0 =	simm.s32 $0x8  }
.LBB2_32:
0x1f: {  	s3 =	stileid.u32  }
0x20: {  	[bflag:$0x0] =	sbarrier.arrive $0xFFFF;
	s21 =	simm.s32 $0x1;
	s23 =	simm.s32 $0x20  }
0x21: {  	s30 =	simm.s32 $0x10;
	s3 =	sshll.u32 s3, $0x6;
	s22 =	rddreg [dreg:$0xb]  }
0x22: {  	s20 =	rddreg [dreg:$0x12];
	s3 =	sor.u32 $0x1C0D, s3;
	s10 =	sshrl.u32 s22, $0x3  }
0x23: {  	[hbm:s20@s23], [sflag:s3] =	dma.strided [spmem:s10@s30], $0x310, s21, $0x10   }
0x24: {  	s10 =	simm.s32 $0xD  }
0x25: {  	_ =	swait.ge [sflag:s10], $0x310  }
0x26: {  	s30 =	rddreg [dreg:$0x14]  }
0x27: {  	s31 =	rddreg [dreg:$0x13];
	s20 =	sadd.s32 $0x1, s30  }
0x28: {  	p1 =	sne.s32 s20, s31  }
.Ltmp1:
0x29: {  	_ = 	snop;
	(pc) =	sbr.rel @!p1 .LBB2_33-.Ltmp1, $3  }
0x2a: {  	_ =	sdelay $0x1  }
0x2b: {  	[sflag:s10] =	ssyncset.done $0x0  }
0x2c: {  	[sflag:s10] =	ssyncadd.s32 $0xFFFFFCF0  }
.LBB2_1:
0x2d: {  	[dreg:$0x14] =	wrdreg s20  }
0x2e: {  	s20 =	simm.s32 @p0 $0x0;
	s21 =	simm.s32 @p0 $0x12C00;
	s3 =	rddreg [dreg:$0x9]  }
0x2f: {  	[tilespmem:s21], [sflag:$0xD] =	stream.linear.gather @p0 [hbm4b:s3+s20], $0x1810, $0x38;
	[tilespmem:$0x1C0F0] =	vst v63  }
0x30: {  	s20 =	simm.s32 @p0 $0xD  }
0x31: {  	_ =	swait.ge @p0 [sflag:s20], $0x1810  }
0x32: {  	[sflag:s20] =	ssyncset.done @p0 $0x0  }
0x33: {  	s3 =	rddreg [dreg:$0xa];
	[sflag:s20] =	ssyncadd.s32 @p0 $0xFFFFE7F0  }
0x34: {  	[spmem:s3] =	stream.linear.scatter @p0 [tilespmem:s21], [sflag:$0xD], $0x1810, $0x38;
	[tilespmem:$0x1C0F0] =	vst v63  }
0x35: {  	_ =	swait.ge @p0 [sflag:s20], $0x1810  }
0x36: {  	s21 =	simm.s32 @!p0 $0x12C00;
	[sflag:s20] =	ssyncset.done @p0 $0x0  }
0x37: {  	s3 =	rddreg [dreg:$0x7];
	[sflag:s20] =	ssyncadd.s32 @p0 $0xFFFFE7F0;
	s20 =	simm.s32 @!p0 $0x0  }
0x38: {  	[tilespmem:s21], [sflag:$0xD] =	stream.linear.gather @!p0 [hbm4b:s3+s20], $0x1870, $0x38;
	[tilespmem:$0x1C0F0] =	vst v63  }
0x39: {  	s20 =	simm.s32 @!p0 $0xD  }
0x3a: {  	_ =	swait.ge @!p0 [sflag:s20], $0x1870  }
0x3b: {  	[sflag:s20] =	ssyncset.done @!p0 $0x0  }
0x3c: {  	s3 =	rddreg [dreg:$0x8];
	[sflag:s20] =	ssyncadd.s32 @!p0 $0xFFFFE790  }
0x3d: {  	[spmem:s3] =	stream.linear.scatter @!p0 [tilespmem:s21], [sflag:$0xD], $0x1870, $0x38;
	[tilespmem:$0x1C0F0] =	vst v63  }
0x3e: {  	_ =	swait.ge @!p0 [sflag:s20], $0x1870  }
0x3f: {  	[sflag:s20] =	ssyncset.done @!p0 $0x0  }
0x40: {  	s21 =	simm.s32 $0x0;
	[sflag:s20] =	ssyncadd.s32 @!p0 $0xFFFFE790;
	s20 =	simm.s32 $0x40  }
.LBB2_2:
0x41: {  	p1 =	sne.s32 s20, $0x63C0;
	[tilespmem:s21+$0x12C00] =	vst v0;
	s21 =	smov.u32 s20;
	s20 =	sadd.s32 $0x40, s20  }
.Ltmp2:
0x42: {  	(pc) =	sbr.rel @p1 .LBB2_2-.Ltmp2, $2  }
0x43: {  	_ =	sdelay $0x2  }
0x44: {  	s21 =	sshra.s32 s21, $0x2  }
0x45: {  	[tilespmem:s21+$0x12C00] =	vst v0;
	s3 =	simm.s32 $0x12C00  }
0x46: {  	[spmem:s22] =	stream.linear.scatter [tilespmem:s3], [sflag:$0xD], $0x1880, $0x38;
	[tilespmem:$0x1C0F0] =	vst v63  }
0x47: {  	_ =	swait.ge [sflag:s10], $0x1880  }
0x48: {  	[sflag:s10] =	ssyncset.done $0x0  }
0x49: {  	s20 =	simm.s32 $0x0;
	s30 =	rddreg [dreg:$0xc];
	[sflag:s10] =	ssyncadd.s32 $0xFFFFE780  }
0x4a: {  	[tilespmem:s20], [sflag:$0x1] =	stream.strided.gather [hbm4b:s30+s24], $0x1900, s25, s24, $0x38;
	[tilespmem:$0x1C0F0] =	vst v63  }
0x4b: {  	s31 =	rddreg [dreg:$0xd]  }
0x4c: {  	[tilespmem:s26], [sflag:$0x1] =	stream.strided.gather [hbm4b:s31+s24], $0x1900, s25, s24, $0x38;
	[tilespmem:$0x1C0F0] =	vst v63  }
0x4d: {  	s10 =	rddreg [dreg:$0xe]  }
0x4e: {  	[tilespmem:s28], [sflag:$0x1] =	stream.linear.gather [hbm4b:s10+s20], $0x1900, $0x38;
	[tilespmem:$0x1C0F0] =	vst v63  }
0x4f: {  	s21 =	rddreg [dreg:$0xf]  }
0x50: {  	[tilespmem:s29], [sflag:$0x2] =	stream.strided.gather [hbm4b:s21+s24], $0x1900, s25, s24, $0x38;
	[tilespmem:$0x1C0F0] =	vst v63  }
0x51: {  	s23 =	simm.s32 $0x7D00;
	s22 =	rddreg [dreg:$0x10]  }
0x52: {  	[tilespmem:s23], [sflag:$0x2] =	stream.strided.gather [hbm4b:s22+s24], $0x1900, s25, s24, $0x38;
	[tilespmem:$0x1C0F0] =	vst v63  }
.Ltmp3:
0x53: {  	_ = 	snop;
	(pc) =	sbr.rel .LBB2_4-.Ltmp3, $3  }
0x54: {  	s30 =	rddreg [dreg:$0x11];
	s31 =	simm.s32 $0xE100  }
0x55: {  	[tilespmem:s31], [sflag:$0x2] =	stream.linear.gather [hbm4b:s30+s20], $0x1900, $0x38;
	[tilespmem:$0x1C0F0] =	vst v63  }
0x56: {  	[bflag:$0x0] =	sbarrier.arrive $0xFFFF;
	_ =	sdelay $0x1  }
.LBB2_30:
0x57: {  	p1 =	sgt.u32 s21, $0x347  }
0x58: {  	s3 =	sadd.s32 @!p1 $0xA0, s21  }
0x59: {  	_ =	swait.ge [sflag:s12], $0x1900;
	s10 =	smul.u32 @!p1 $0x640, s3  }
0x5a: {  	[sflag:s12] =	ssyncset.done $0x0;
	s22 =	simm.s32 @!p1 $0x80;
	s23 =	simm.s32 @!p1 $0x100  }
0x5b: {  	s30 =	simm.s32 @!p1 $0x1900;
	[sflag:s12] =	ssyncadd.s32 $0xFFFFE700;
	s21 =	sadd.s32 @!p1 s1, s10  }
0x5c: {  	[tilespmem:s30], [sflag:$0x2] =	stream.strided.gather @!p1 [hbm4b:s21+s22], $0x1900, s23, s22, $0x38;
	[tilespmem:$0x1C0F0] =	vst v63  }
0x5d: {  	s3 =	smul.u32 @!p1 $0x320, s3;
	s10 =	sadd.s32 @!p1 s10, s14;
	s21 =	simm.s32 @!p1 $0x7D00  }
0x5e: {  	[tilespmem:s21], [sflag:$0x2] =	stream.strided.gather @!p1 [hbm4b:s10+s22], $0x1900, s23, s22, $0x38;
	[tilespmem:$0x1C0F0] =	vst v63  }
0x5f: {  	s3 =	sadd.s32 @!p1 s2, s3;
	s10 =	simm.s32 @!p1 $0x0;
	s21 =	simm.s32 @!p1 $0xE100  }
0x60: {  	[tilespmem:s21], [sflag:$0x2] =	stream.linear.gather @!p1 [hbm4b:s3+s10], $0x1900, $0x38;
	[tilespmem:$0x1C0F0] =	vst v63  }
.LBB2_31:
0x61: {  	s20 =	sadd.s32 $0x1, s20  }
0x62: {  	p1 =	sne.s32 s20, $0x9  }
.Ltmp4:
0x63: {  	_ = 	snop;
	(pc) =	sbr.rel @!p1 .LBB2_32-.Ltmp4, $1  }
0x64: {  	_ =	sdelay $0x3  }
.LBB2_4:
0x65: {  	s21 =	sshll.u32 s20, $0x7  }
0x66: {  	s21 =	sor.u32 s7, s21  }
0x67: {  	p2 =	sgt.u32 s21, $0x3E7  }
0x68: {  	s22 =	simm.s32 @!p2 $0x1  }
0x69: {  	_ =	swait.ge @!p2 [sflag:s22], $0x1900  }
0x6a: {  	[sflag:s22] =	ssyncset.done @!p2 $0x0  }
0x6b: {  	p1 =	sne.s32 s20, $0x0;
	p3 =	slt.u32 s21, $0x408;
	[sflag:s22] =	ssyncadd.s32 @!p2 $0xFFFFE700  }
0x6c: {  	p1 =	por !p1, !p3;
	_ =	swait.ge @!p2 [sflag:s22], $0x1900  }
0x6d: {  	p4 =	por !p1, !p1;
	[sflag:s22] =	ssyncset.done @!p2 $0x0  }
.Ltmp5:
0x6e: {  	[sflag:s22] =	ssyncadd.s32 @!p2 $0xFFFFE700;
	(pc) =	sbr.rel @!p4 .LBB2_8-.Ltmp5, $4  }
0x6f: {  	_ =	swait.ge @!p2 [sflag:s22], $0x1900  }
0x70: {  	s23 =	simm.s32 @!p2 $0x0;
	[sflag:s22] =	ssyncset.done @!p2 $0x0  }
0x71: {  	s3 =	simm.s32 @!p2 $0x12C00;
	[sflag:s22] =	ssyncadd.s32 @!p2 $0xFFFFE700;
	s22 =	simm.s32 @!p2 $0x1900  }
0x72: {  	[tilespmem:s3], [sflag:$0x5] =	stream.indirect.gather @!p2 [spmem:s4], $0x1, s23, s22, $0xb8;
	[tilespmem:$0x1C0F0] =	vst v63  }
0x73: {  	_ =	swait.ge [sflag:s0], $0x1900  }
0x74: {  	[sflag:s0] =	ssyncset.done $0x0  }
0x75: {  	s23 =	simm.s32 $0x0;
	[sflag:s0] =	ssyncadd.s32 $0xFFFFE700  }
0x76: {  	v6 =	vld [tilespmem:s23+$0x17700]  }
0x77: {  	v7 =	vld [tilespmem:s23+$0x17710]  }
0x78: {  	v2 =	vld [tilespmem:s23+$0x17720]  }
0x79: {  	v1 =	vld [tilespmem:s23+$0x17730]  }
0x7a: {  	v3 =	vld [tilespmem:s23+$0x11300]  }
0x7b: {  	v5 =	vld [tilespmem:s23+$0x11310]  }
0x7c: {  	s22 =	simm.s32 $0x100;
	v4 =	vld [tilespmem:s23+$0x11320]  }
.LBB2_6:
0x7d: {  	s3 =	sshra.s32 s22, $0x2;
	p1 =	sne.s32 s22, $0x6300;
	v8 =	vld [tilespmem:s23+$0x11330];
	v9 =	vmov v2  }
0x7e: {  	v10 =	vld [tilespmem:s3+$0x17700];
	v11 =	vmov v1  }
0x7f: {  	v12 =	vld [tilespmem:s3+$0x17710];
	v3 =	vmul.f32 v3, v6  }
.Ltmp6:
0x80: {  	v2 =	vld [tilespmem:s3+$0x17720];
	v5 =	vmul.f32 v5, v7;
	(pc) =	sbr.rel @p1 .LBB2_6-.Ltmp6, $4  }
0x81: {  	v1 =	vld [tilespmem:s3+$0x17730];
	[tilespmem:s23+$0x11300] =	vst v3;
	v4 =	vmul.f32 v4, v9  }
0x82: {  	v3 =	vld [tilespmem:s3+$0x11300];
	[tilespmem:s23+$0x11310] =	vst v5;
	v8 =	vmul.f32 v8, v11  }
0x83: {  	v5 =	vld [tilespmem:s3+$0x11310];
	[tilespmem:s23+$0x11320] =	vst v4;
	v6 =	vmov v10  }
0x84: {  	s22 =	sadd.s32 $0x100, s22;
	v4 =	vld [tilespmem:s3+$0x11320];
	[tilespmem:s23+$0x11330] =	vst v8;
	v7 =	vmov v12;
	s23 =	smov.u32 s3  }
0x85: {  	v8 =	vld [tilespmem:s23+$0x11330];
	_ =	sdelay $0x1  }
0x86: {  	v3 =	vmul.f32 v3, v6  }
0x87: {  	v5 =	vmul.f32 v5, v7  }
.Ltmp7:
0x88: {  	[tilespmem:s23+$0x11300] =	vst v3;
	v2 =	vmul.f32 v4, v2;
	(pc) =	sbr.rel .LBB2_9-.Ltmp7, $4  }
0x89: {  	[tilespmem:s23+$0x11310] =	vst v5;
	v1 =	vmul.f32 v8, v1  }
0x8a: {  	[tilespmem:s23+$0x11320] =	vst v2  }
0x8b: {  	s3 =	simm.s32 $0xAF00;
	s10 =	simm.s32 $0x11300;
	[tilespmem:s23+$0x11330] =	vst v1  }
0x8c: {  	[spmem:s5] =	stream.indirect.scatter.add.f32 [tilespmem:s10], [sflag:$0xC], $0x1, s3, s29, $0xb8;
	[tilespmem:$0x1C0F0] =	vst v63  }
.LBB2_8:
0x8d: {  	p1 =	seq.s32 s20, $0x0  }
.Ltmp8:
0x8e: {  	_ = 	snop;
	(pc) =	sbr.rel @p1 .LBB2_10-.Ltmp8, $1  }
0x8f: {  	_ =	sdelay $0x3  }
.LBB2_9:
0x90: {  	_ =	swait.ge [sflag:s8], $0x1900  }
0x91: {  	[sflag:s8] =	ssyncset.done $0x0  }
0x92: {  	[sflag:s8] =	ssyncadd.s32 $0xFFFFE700  }
.LBB2_10:
0x93: {  	s3 =	sor.u32 $0x40, s21  }
0x94: {  	p1 =	sgt.u32 s3, $0x3E7  }
0x95: {  	s22 =	smul.u32 @!p1 $0x640, s3  }
0x96: {  	p3 =	sgt.u32 s21, $0x3C7;
	s10 =	simm.s32 @!p1 $0x80  }
0x97: {  	s30 =	simm.s32 @!p1 $0x100;
	s31 =	simm.s32 @!p1 $0x3200;
	s23 =	sadd.s32 @!p1 s1, s22  }
0x98: {  	[tilespmem:s31], [sflag:$0x3] =	stream.strided.gather @!p1 [hbm4b:s23+s10], $0x1900, s30, s10, $0x38;
	[tilespmem:$0x1C0F0] =	vst v63  }
.Ltmp9:
0x99: {  	_ = 	snop;
	(pc) =	sbr.rel @p3 .LBB2_12-.Ltmp9, $4  }
0x9a: {  	s3 =	smul.u32 @!p1 $0x320, s3;
	s22 =	sadd.s32 @!p1 s22, s14;
	s23 =	simm.s32 @!p1 $0x9600  }
0x9b: {  	[tilespmem:s23], [sflag:$0x3] =	stream.strided.gather @!p1 [hbm4b:s22+s10], $0x1900, s30, s10, $0x38;
	[tilespmem:$0x1C0F0] =	vst v63  }
0x9c: {  	s3 =	sadd.s32 @!p1 s2, s3;
	s10 =	simm.s32 @!p1 $0x0;
	s22 =	simm.s32 @!p1 $0xFA00  }
0x9d: {  	[tilespmem:s22], [sflag:$0x3] =	stream.linear.gather @!p1 [hbm4b:s3+s10], $0x1900, $0x38;
	[tilespmem:$0x1C0F0] =	vst v63  }
0x9e: {  	_ =	swait.ge [sflag:s9], $0x1900  }
0x9f: {  	[sflag:s9] =	ssyncset.done $0x0  }
0xa0: {  	[sflag:s9] =	ssyncadd.s32 $0xFFFFE700  }
0xa1: {  	_ =	swait.ge [sflag:s9], $0x1900  }
0xa2: {  	[sflag:s9] =	ssyncset.done $0x0  }
.Ltmp10:
0xa3: {  	[sflag:s9] =	ssyncadd.s32 $0xFFFFE700;
	(pc) =	sbr.rel .LBB2_13-.Ltmp10, $4  }
0xa4: {  	_ =	swait.ge [sflag:s9], $0x1900  }
0xa5: {  	[sflag:s9] =	ssyncset.done $0x0  }
0xa6: {  	s3 =	simm.s32 $0x14500;
	[sflag:s9] =	ssyncadd.s32 $0xFFFFE700  }
0xa7: {  	[tilespmem:s3], [sflag:$0x6] =	stream.indirect.gather [spmem:s4], $0x1, s29, s29, $0xb8;
	[tilespmem:$0x1C0F0] =	vst v63  }
.LBB2_12:
.Ltmp11:
0xa8: {  	(pc) =	sbr.rel @p2 .LBB2_16-.Ltmp11, $1  }
0xa9: {  	_ =	sdelay $0x3  }
.LBB2_13:
0xaa: {  	_ =	swait.ge [sflag:s11], $0x1900  }
0xab: {  	[sflag:s11] =	ssyncset.done $0x0  }
0xac: {  	s23 =	simm.s32 $0x0;
	[sflag:s11] =	ssyncadd.s32 $0xFFFFE700  }
0xad: {  	v6 =	vld [tilespmem:s23+$0x12C00]  }
0xae: {  	v7 =	vld [tilespmem:s23+$0x12C10]  }
0xaf: {  	v2 =	vld [tilespmem:s23+$0x12C20]  }
0xb0: {  	v1 =	vld [tilespmem:s23+$0x12C30]  }
0xb1: {  	v3 =	vld [tilespmem:s23+$0xC800]  }
0xb2: {  	v5 =	vld [tilespmem:s23+$0xC810]  }
0xb3: {  	s22 =	simm.s32 $0x100;
	v4 =	vld [tilespmem:s23+$0xC820]  }
.LBB2_14:
0xb4: {  	s3 =	sshra.s32 s22, $0x2;
	p5 =	sne.s32 s22, $0x6300;
	v8 =	vld [tilespmem:s23+$0xC830];
	v9 =	vmov v2  }
0xb5: {  	v10 =	vld [tilespmem:s3+$0x12C00];
	v11 =	vmov v1  }
0xb6: {  	v12 =	vld [tilespmem:s3+$0x12C10];
	v3 =	vmul.f32 v3, v6  }
.Ltmp12:
0xb7: {  	v2 =	vld [tilespmem:s3+$0x12C20];
	v5 =	vmul.f32 v5, v7;
	(pc) =	sbr.rel @p5 .LBB2_14-.Ltmp12, $4  }
0xb8: {  	v1 =	vld [tilespmem:s3+$0x12C30];
	[tilespmem:s23+$0xC800] =	vst v3;
	v4 =	vmul.f32 v4, v9  }
0xb9: {  	v3 =	vld [tilespmem:s3+$0xC800];
	[tilespmem:s23+$0xC810] =	vst v5;
	v8 =	vmul.f32 v8, v11  }
0xba: {  	v5 =	vld [tilespmem:s3+$0xC810];
	[tilespmem:s23+$0xC820] =	vst v4;
	v6 =	vmov v10  }
0xbb: {  	s22 =	sadd.s32 $0x100, s22;
	v4 =	vld [tilespmem:s3+$0xC820];
	[tilespmem:s23+$0xC830] =	vst v8;
	v7 =	vmov v12;
	s23 =	smov.u32 s3  }
0xbc: {  	v8 =	vld [tilespmem:s23+$0xC830];
	_ =	sdelay $0x1  }
0xbd: {  	v3 =	vmul.f32 v3, v6  }
0xbe: {  	v5 =	vmul.f32 v5, v7  }
0xbf: {  	[tilespmem:s23+$0xC800] =	vst v3;
	v2 =	vmul.f32 v4, v2  }
0xc0: {  	[tilespmem:s23+$0xC810] =	vst v5;
	v1 =	vmul.f32 v8, v1  }
0xc1: {  	[tilespmem:s23+$0xC820] =	vst v2  }
0xc2: {  	[tilespmem:s23+$0xC830] =	vst v1  }
0xc3: {  	[spmem:s5] =	stream.indirect.scatter.add.f32 [tilespmem:s28], [sflag:$0x9], $0x1, s26, s29, $0xb8;
	[tilespmem:$0x1C0F0] =	vst v63  }
.LBB2_16:
0xc4: {  	s3 =	sor.u32 $0x60, s21  }
0xc5: {  	s10 =	simm.s32 @p4 $0xC;
	p5 =	sgt.u32 s3, $0x3E7  }
0xc6: {  	_ =	swait.ge @p4 [sflag:s10], $0x1900;
	s22 =	smul.u32 @!p5 $0x640, s3  }
0xc7: {  	[sflag:s10] =	ssyncset.done @p4 $0x0;
	s23 =	simm.s32 @!p5 $0x80;
	s30 =	simm.s32 @!p5 $0x100  }
0xc8: {  	s31 =	simm.s32 @!p5 $0x4B00;
	[sflag:s10] =	ssyncadd.s32 @p4 $0xFFFFE700;
	s10 =	sadd.s32 @!p5 s1, s22  }
0xc9: {  	[tilespmem:s31], [sflag:$0x4] =	stream.strided.gather @!p5 [hbm4b:s10+s23], $0x1900, s30, s23, $0x38;
	[tilespmem:$0x1C0F0] =	vst v63  }
0xca: {  	s3 =	smul.u32 @!p5 $0x320, s3;
	s10 =	sadd.s32 @!p5 s22, s14;
	s22 =	simm.s32 @!p5 $0xAF00  }
0xcb: {  	[tilespmem:s22], [sflag:$0x4] =	stream.strided.gather @!p5 [hbm4b:s10+s23], $0x1900, s30, s23, $0x38;
	[tilespmem:$0x1C0F0] =	vst v63  }
0xcc: {  	s3 =	sadd.s32 @!p5 s2, s3;
	s10 =	simm.s32 @!p5 $0x0;
	s22 =	simm.s32 @!p5 $0x11300  }
0xcd: {  	[tilespmem:s22], [sflag:$0x4] =	stream.linear.gather @!p5 [hbm4b:s3+s10], $0x1900, $0x38;
	[tilespmem:$0x1C0F0] =	vst v63  }
0xce: {  	s3 =	simm.s32 @!p1 $0x3  }
0xcf: {  	_ =	swait.ge @!p1 [sflag:s3], $0x1900  }
0xd0: {  	[sflag:s3] =	ssyncset.done @!p1 $0x0  }
0xd1: {  	[sflag:s3] =	ssyncadd.s32 @!p1 $0xFFFFE700  }
0xd2: {  	_ =	swait.ge @!p1 [sflag:s3], $0x1900  }
0xd3: {  	[sflag:s3] =	ssyncset.done @!p1 $0x0  }
.Ltmp13:
0xd4: {  	[sflag:s3] =	ssyncadd.s32 @!p1 $0xFFFFE700;
	(pc) =	sbr.rel @p3 .LBB2_20-.Ltmp13, $4  }
0xd5: {  	_ =	swait.ge @!p1 [sflag:s3], $0x1900  }
0xd6: {  	s10 =	simm.s32 @!p1 $0x3200;
	[sflag:s3] =	ssyncset.done @!p1 $0x0  }
0xd7: {  	s22 =	simm.s32 @!p1 $0x15E00;
	[sflag:s3] =	ssyncadd.s32 @!p1 $0xFFFFE700;
	s3 =	simm.s32 @!p1 $0x1900  }
0xd8: {  	[tilespmem:s22], [sflag:$0x7] =	stream.indirect.gather @!p1 [spmem:s4], $0x1, s10, s3, $0xb8;
	[tilespmem:$0x1C0F0] =	vst v63  }
0xd9: {  	_ =	swait.ge [sflag:s13], $0x1900  }
0xda: {  	[sflag:s13] =	ssyncset.done $0x0  }
0xdb: {  	s23 =	simm.s32 $0x0;
	[sflag:s13] =	ssyncadd.s32 $0xFFFFE700  }
0xdc: {  	v6 =	vld [tilespmem:s23+$0x14500]  }
0xdd: {  	v7 =	vld [tilespmem:s23+$0x14510]  }
0xde: {  	v2 =	vld [tilespmem:s23+$0x14520]  }
0xdf: {  	v1 =	vld [tilespmem:s23+$0x14530]  }
0xe0: {  	v3 =	vld [tilespmem:s23+$0xE100]  }
0xe1: {  	v5 =	vld [tilespmem:s23+$0xE110]  }
0xe2: {  	s22 =	simm.s32 $0x100;
	v4 =	vld [tilespmem:s23+$0xE120]  }
.LBB2_18:
0xe3: {  	s3 =	sshra.s32 s22, $0x2;
	p2 =	sne.s32 s22, $0x6300;
	v8 =	vld [tilespmem:s23+$0xE130];
	v9 =	vmov v2  }
0xe4: {  	v10 =	vld [tilespmem:s3+$0x14500];
	v11 =	vmov v1  }
0xe5: {  	v12 =	vld [tilespmem:s3+$0x14510];
	v3 =	vmul.f32 v3, v6  }
.Ltmp14:
0xe6: {  	v2 =	vld [tilespmem:s3+$0x14520];
	v5 =	vmul.f32 v5, v7;
	(pc) =	sbr.rel @p2 .LBB2_18-.Ltmp14, $4  }
0xe7: {  	v1 =	vld [tilespmem:s3+$0x14530];
	[tilespmem:s23+$0xE100] =	vst v3;
	v4 =	vmul.f32 v4, v9  }
0xe8: {  	v3 =	vld [tilespmem:s3+$0xE100];
	[tilespmem:s23+$0xE110] =	vst v5;
	v8 =	vmul.f32 v8, v11  }
0xe9: {  	v5 =	vld [tilespmem:s3+$0xE110];
	[tilespmem:s23+$0xE120] =	vst v4;
	v6 =	vmov v10  }
0xea: {  	s22 =	sadd.s32 $0x100, s22;
	v4 =	vld [tilespmem:s3+$0xE120];
	[tilespmem:s23+$0xE130] =	vst v8;
	v7 =	vmov v12;
	s23 =	smov.u32 s3  }
0xeb: {  	v8 =	vld [tilespmem:s23+$0xE130];
	_ =	sdelay $0x1  }
0xec: {  	v3 =	vmul.f32 v3, v6  }
0xed: {  	v5 =	vmul.f32 v5, v7  }
.Ltmp15:
0xee: {  	[tilespmem:s23+$0xE100] =	vst v3;
	v2 =	vmul.f32 v4, v2;
	(pc) =	sbr.rel .LBB2_21-.Ltmp15, $4  }
0xef: {  	[tilespmem:s23+$0xE110] =	vst v5;
	v1 =	vmul.f32 v8, v1  }
0xf0: {  	[tilespmem:s23+$0xE120] =	vst v2  }
0xf1: {  	s3 =	simm.s32 $0x7D00;
	s10 =	simm.s32 $0xE100;
	[tilespmem:s23+$0xE130] =	vst v1  }
0xf2: {  	[spmem:s5] =	stream.indirect.scatter.add.f32 [tilespmem:s10], [sflag:$0xA], $0x1, s3, s29, $0xb8;
	[tilespmem:$0x1C0F0] =	vst v63  }
.LBB2_20:
.Ltmp16:
0xf3: {  	(pc) =	sbr.rel @p2 .LBB2_31-.Ltmp16, $1  }
0xf4: {  	_ =	sdelay $0x3  }
.LBB2_21:
0xf5: {  	p2 =	sgt.u32 s21, $0x367  }
.Ltmp17:
0xf6: {  	_ = 	snop;
	(pc) =	sbr.rel @p2 .LBB2_23-.Ltmp17, $4  }
0xf7: {  	_ = 	snop  }
0xf8: {  	_ =	swait.ge [sflag:s15], $0x1900  }
0xf9: {  	[sflag:s15] =	ssyncset.done $0x0  }
0xfa: {  	[sflag:s15] =	ssyncadd.s32 $0xFFFFE700  }
0xfb: {  	s3 =	sadd.s32 $0x80, s21  }
0xfc: {  	s10 =	smul.u32 $0x640, s3;
	_ =	sdelay $0x1  }
0xfd: {  	s22 =	sadd.s32 s1, s10  }
0xfe: {  	[tilespmem:s6], [sflag:$0x1] =	stream.strided.gather [hbm4b:s22+s24], $0x1900, s25, s24, $0x38;
	[tilespmem:$0x1C0F0] =	vst v63  }
.Ltmp18:
0xff: {  	_ = 	snop;
	(pc) =	sbr.rel .LBB2_24-.Ltmp18, $4  }
0x100: {  	s3 =	smul.u32 $0x320, s3;
	s10 =	sadd.s32 s10, s14  }
0x101: {  	[tilespmem:s26], [sflag:$0x1] =	stream.strided.gather [hbm4b:s10+s24], $0x1900, s25, s24, $0x38;
	[tilespmem:$0x1C0F0] =	vst v63  }
0x102: {  	s3 =	sadd.s32 s2, s3  }
0x103: {  	[tilespmem:s28], [sflag:$0x1] =	stream.linear.gather [hbm4b:s3+s6], $0x1900, $0x38;
	[tilespmem:$0x1C0F0] =	vst v63  }
.LBB2_23:
.Ltmp19:
0x104: {  	(pc) =	sbr.rel @p5 .LBB2_25-.Ltmp19, $1  }
0x105: {  	_ =	sdelay $0x3  }
.LBB2_24:
0x106: {  	_ =	swait.ge [sflag:s16], $0x1900  }
0x107: {  	[sflag:s16] =	ssyncset.done $0x0  }
0x108: {  	[sflag:s16] =	ssyncadd.s32 $0xFFFFE700  }
0x109: {  	_ =	swait.ge [sflag:s16], $0x1900  }
0x10a: {  	[sflag:s16] =	ssyncset.done $0x0  }
0x10b: {  	[sflag:s16] =	ssyncadd.s32 $0xFFFFE700  }
0x10c: {  	_ =	swait.ge [sflag:s16], $0x1900  }
0x10d: {  	[sflag:s16] =	ssyncset.done $0x0  }
0x10e: {  	[sflag:s16] =	ssyncadd.s32 $0xFFFFE700  }
0x10f: {  	[tilespmem:s18], [sflag:$0x8] =	stream.indirect.gather [spmem:s4], $0x1, s17, s29, $0xb8;
	[tilespmem:$0x1C0F0] =	vst v63  }
.LBB2_25:
.Ltmp20:
0x110: {  	(pc) =	sbr.rel @p1 .LBB2_29-.Ltmp20, $1  }
0x111: {  	_ =	sdelay $0x3  }
0x112: {  	_ =	swait.ge [sflag:s19], $0x1900  }
0x113: {  	[sflag:s19] =	ssyncset.done $0x0  }
0x114: {  	s23 =	simm.s32 $0x0;
	[sflag:s19] =	ssyncadd.s32 $0xFFFFE700  }
0x115: {  	v6 =	vld [tilespmem:s23+$0x15E00]  }
0x116: {  	v7 =	vld [tilespmem:s23+$0x15E10]  }
0x117: {  	v2 =	vld [tilespmem:s23+$0x15E20]  }
0x118: {  	v1 =	vld [tilespmem:s23+$0x15E30]  }
0x119: {  	v3 =	vld [tilespmem:s23+$0xFA00]  }
0x11a: {  	v5 =	vld [tilespmem:s23+$0xFA10]  }
0x11b: {  	s22 =	simm.s32 $0x100;
	v4 =	vld [tilespmem:s23+$0xFA20]  }
.LBB2_27:
0x11c: {  	s3 =	sshra.s32 s22, $0x2;
	p1 =	sne.s32 s22, $0x6300;
	v8 =	vld [tilespmem:s23+$0xFA30];
	v9 =	vmov v2  }
0x11d: {  	v10 =	vld [tilespmem:s3+$0x15E00];
	v11 =	vmov v1  }
0x11e: {  	v12 =	vld [tilespmem:s3+$0x15E10];
	v3 =	vmul.f32 v3, v6  }
.Ltmp21:
0x11f: {  	v2 =	vld [tilespmem:s3+$0x15E20];
	v5 =	vmul.f32 v5, v7;
	(pc) =	sbr.rel @p1 .LBB2_27-.Ltmp21, $4  }
0x120: {  	v1 =	vld [tilespmem:s3+$0x15E30];
	[tilespmem:s23+$0xFA00] =	vst v3;
	v4 =	vmul.f32 v4, v9  }
0x121: {  	v3 =	vld [tilespmem:s3+$0xFA00];
	[tilespmem:s23+$0xFA10] =	vst v5;
	v8 =	vmul.f32 v8, v11  }
0x122: {  	v5 =	vld [tilespmem:s3+$0xFA10];
	[tilespmem:s23+$0xFA20] =	vst v4;
	v6 =	vmov v10  }
0x123: {  	s22 =	sadd.s32 $0x100, s22;
	v4 =	vld [tilespmem:s3+$0xFA20];
	[tilespmem:s23+$0xFA30] =	vst v8;
	v7 =	vmov v12;
	s23 =	smov.u32 s3  }
0x124: {  	v8 =	vld [tilespmem:s23+$0xFA30];
	_ =	sdelay $0x1  }
0x125: {  	v3 =	vmul.f32 v3, v6  }
0x126: {  	v5 =	vmul.f32 v5, v7  }
.Ltmp22:
0x127: {  	[tilespmem:s23+$0xFA00] =	vst v3;
	v2 =	vmul.f32 v4, v2;
	(pc) =	sbr.rel .LBB2_30-.Ltmp22, $4  }
0x128: {  	[tilespmem:s23+$0xFA10] =	vst v5;
	v1 =	vmul.f32 v8, v1  }
0x129: {  	[tilespmem:s23+$0xFA20] =	vst v2  }
0x12a: {  	s3 =	simm.s32 $0x9600;
	s10 =	simm.s32 $0xFA00;
	[tilespmem:s23+$0xFA30] =	vst v1  }
0x12b: {  	[spmem:s5] =	stream.indirect.scatter.add.f32 [tilespmem:s10], [sflag:$0xB], $0x1, s3, s29, $0xb8;
	[tilespmem:$0x1C0F0] =	vst v63  }
.LBB2_29:
.Ltmp23:
0x12c: {  	(pc) =	sbr.rel @p3 .LBB2_31-.Ltmp23, $4  }
.Ltmp24:
0x12d: {  	(pc) =	sbr.rel @!p3 .LBB2_30-.Ltmp24, $4  }
0x12e: {  	_ = 	snop  }
0x12f: {  	_ = 	snop  }
0x130: {  	_ = 	snop  }
0x131: {  	_ = 	snop  }
.LBB2_33:
0x132: {  	_ =	sfence.sel $0x180000  }
0x133: {  	[bflag:$0x0] =	sbarrier.arrive $0xFFFF  }
0x134: {  	_ =	strace $0x90000047  }
0x135: {  	s0 =	stileid.u32;
	[bflag:$0x2] =	sbarrier.arrive $0xFFFF  }
0x136: {  	p0 =	sne.s32 s0, $0x0;
	s0 =	rddreg [dreg:$0x6]  }
0x137: {  	s0 =	sadd.s32 @!p0 $0x100000, s0  }
0x138: {  	[sflag:s0] =	ssyncadd.tile.s32 @!p0 $0x1;
	_ =	shalt  }
.Lfunc_end2:
_tile_overlayer_lowered:
.L_overlay_start_2:
0x139: {  	(tag) =	ssettag $0x2  }
0x13a: {  	s0 =	rddreg [dreg:$0x0];
	s2 =	stileid.u32  }
0x13b: {  	s1 =	rddreg [dreg:$0x1];
	p0 =	sne.s32 s2, $0x0  }
0x13c: {  	s3 =	rddreg [dreg:$0x2];
	[bflag:$0x3] =	sbarrier.arrive $0xFFFF;
	s2 =	simm.s32 @!p0 $0x1C0D  }
0x13d: {  	[timem:s3], [sflag:s2] =	dma.local @!p0 [hbm:s0], s1  }
0x13e: {  	s0 =	simm.s32 @!p0 $0xD  }
0x13f: {  	_ =	swait.ge @!p0 [sflag:s0], s1  }
0x140: {  	s1 =	ssub.s32 @!p0 $0x0, s1;
	[sflag:s0] =	ssyncset.done @!p0 $0x0  }
0x141: {  	[sflag:s0] =	ssyncadd.s32 @!p0 s1  }
0x142: {  	[bflag:$0x3] =	sbarrier.arrive $0xFFFF  }
0x143: {  	_ =	shalt  }

</sc_bundles>
